<compile_context>
chip_gen: v7x
topology: tpu7x:2x2x1
jax: 0.10.2.dev20260603
libtpu: 0.0.44.dev20260713+nightly
codegen_flags: <defaults>
</compile_context>

<pallas_src>
import functools

import jax
import jax.numpy as jnp
from jax import lax
from jax.experimental import pallas as pl
from jax.experimental.pallas import tpu as pltpu
from jax.experimental.pallas import tpu_sc as plsc

NUM_CODEBOOKS = 32
VOCAB_SIZE = 2051
HIDDEN_SIZE = 2048
SEQ = 2048

_info = plsc.get_sparse_core_info()
_NC, _NS, _L = _info.num_cores, _info.num_subcores, _info.num_lanes
_NW = _NC * _NS
_TOK_PER_W = SEQ // _NW
_NQ = 4
_QROWS = NUM_CODEBOOKS // _NQ
_OUT_TOK = 16
_VPR = HIDDEN_SIZE // 16


def _sum_quarter(stage, outchunk, tslot, accumulate):
    @plsc.parallel_loop(0, _VPR, unroll=4)
    def jbody(j):
        sl = pl.ds(j * 16, 16)
        s = stage[0, sl]
        for c in range(1, _QROWS):
            s = s + stage[c, sl]
        if accumulate:
            s = s + outchunk[tslot, sl]
        outchunk[tslot, sl] = s


def _body(table_hbm, ids_hbm, out_hbm, idx_v, *rest):
    stages = rest[:_NQ]
    outchunk = rest[_NQ]
    sems = rest[_NQ + 1:2 * _NQ + 1]
    sem_out = rest[2 * _NQ + 1]
    wid = lax.axis_index("s") * _NC + lax.axis_index("c")
    wbase = wid * _TOK_PER_W

    pltpu.sync_copy(
        ids_hbm.at[pl.ds(wbase * NUM_CODEBOOKS, _TOK_PER_W * NUM_CODEBOOKS)], idx_v)
    off_lo = lax.iota(jnp.int32, 16) * VOCAB_SIZE
    off_hi = off_lo + 16 * VOCAB_SIZE

    @plsc.parallel_loop(0, _TOK_PER_W, unroll=4)
    def obody(k):
        lo = pl.ds(k * NUM_CODEBOOKS, 16)
        hi = pl.ds(k * NUM_CODEBOOKS + 16, 16)
        idx_v[lo] = idx_v[lo] + off_lo
        idx_v[hi] = idx_v[hi] + off_hi

    def gather(p, q):
        return pltpu.async_copy(
            table_hbm.at[idx_v.at[pl.ds(p * NUM_CODEBOOKS + q * _QROWS, _QROWS)]],
            stages[q], sems[q])

    for q in range(_NQ):
        gather(0, q)

    def tbody(p, carry):
        tslot = lax.rem(p, _OUT_TOK)

        @pl.when(jnp.logical_and(tslot == 0, p > 0))
        def _():
            pltpu.make_async_copy(
                outchunk, out_hbm.at[pl.ds(0, _OUT_TOK)], sem_out
            ).wait()

        for q in range(_NQ):
            pltpu.make_async_copy(
                table_hbm.at[idx_v.at[pl.ds(p * NUM_CODEBOOKS + q * _QROWS, _QROWS)]],
                stages[q], sems[q],
            ).wait()
            _sum_quarter(stages[q], outchunk, tslot, accumulate=(q > 0))

            @pl.when(p < _TOK_PER_W - 1)
            def _():
                gather(p + 1, q)

        @pl.when(tslot == _OUT_TOK - 1)
        def _():
            row0 = pl.multiple_of(wbase + p - (_OUT_TOK - 1), _OUT_TOK)
            pltpu.async_copy(outchunk, out_hbm.at[pl.ds(row0, _OUT_TOK)], sem_out)

        return carry

    lax.fori_loop(0, _TOK_PER_W, tbody, 0)

    pltpu.make_async_copy(outchunk, out_hbm.at[pl.ds(0, _OUT_TOK)], sem_out).wait()


@functools.partial(jax.jit, static_argnames=())
def kernel(input_ids, embed_audio_tokens_weight):
    b, s, ncb = input_ids.shape
    ids_flat = input_ids.reshape(s * ncb).astype(jnp.int32)
    mesh = plsc.VectorSubcoreMesh(core_axis_name="c", subcore_axis_name="s")
    run = pl.kernel(
        _body,
        out_type=jax.ShapeDtypeStruct((SEQ, HIDDEN_SIZE), jnp.float32),
        mesh=mesh,
        scratch_types=(
            [pltpu.VMEM((_TOK_PER_W * NUM_CODEBOOKS,), jnp.int32)]
            + [pltpu.VMEM((_QROWS, HIDDEN_SIZE), jnp.float32) for _ in range(_NQ)]
            + [pltpu.VMEM((_OUT_TOK, HIDDEN_SIZE), jnp.float32)]
            + [pltpu.SemaphoreType.DMA for _ in range(_NQ + 1)]
        ),
    )
    out = run(embed_audio_tokens_weight, ids_flat)
    return out.reshape(b, s, HIDDEN_SIZE)

# --- scband reference (transcript-rebuilt; emitter-appended) ---
"""Pipeline reference for scband-csm-backbone-model-embeddings-21887153340836 (READ-ONLY COPY).

The authoritative reference and input builder live on the scoring server;
editing this copy changes nothing except your own understanding.
"""

import jax, jax.numpy as jnp
import numpy as np

NUM_CODEBOOKS = 32
VOCAB_SIZE = 2051
HIDDEN_SIZE = 2048
BATCH = 1
SEQ = 2048


def setup_inputs(seed: int = 0) -> dict:
    key = jax.random.key(seed)
    k_ids, k_w = jax.random.split(key)
    input_ids = jax.random.randint(k_ids, (BATCH, SEQ, NUM_CODEBOOKS), 0, VOCAB_SIZE, dtype=jnp.int32)
    embed_audio_tokens_weight = jax.random.normal(
        k_w, (NUM_CODEBOOKS * VOCAB_SIZE, HIDDEN_SIZE), dtype=jnp.float32
    ) * 0.02
    return {"input_ids": input_ids, "embed_audio_tokens_weight": embed_audio_tokens_weight}


def reference(input_ids, embed_audio_tokens_weight):
    # audio_tokens_offsets = arange(num_codebooks) * vocab_size
    audio_tokens_offsets = jnp.arange(NUM_CODEBOOKS, dtype=input_ids.dtype) * VOCAB_SIZE
    # offset indices per codebook, gather from the flat embedding table
    idx = input_ids + audio_tokens_offsets  # [B, S, num_codebooks]
    input_embeds = jnp.take(embed_audio_tokens_weight, idx, axis=0)  # [B, S, num_codebooks, H]
    # sum over the codebook dimension
    input_embeds = input_embeds.sum(axis=2)  # [B, S, H]
    return input_embeds

if __name__ == "__main__":
    import jax
    _d = setup_inputs()
    print(jax.jit(kernel)(*tuple(_d.values())))

</pallas_src>

<mosaic_0001>
#map = affine_map<(d0, d1) -> (0, 0)>
#map1 = affine_map<(d0, d1) -> (0)>
module attributes {stable_mosaic.version = 14 : i64} {
  func.func @_body(%arg0: i32, %arg1: i32, %arg2: memref<65632x2048xf32, #tpu.memory_space<hbm>>, %arg3: memref<65536xi32, #tpu.memory_space<hbm>>, %arg4: memref<2048x2048xf32, #tpu.memory_space<hbm>>, %arg5: memref<2048xi32, #tpu.memory_space<vmem>>, %arg6: memref<8x2048xf32, #tpu.memory_space<vmem>>, %arg7: memref<8x2048xf32, #tpu.memory_space<vmem>>, %arg8: memref<8x2048xf32, #tpu.memory_space<vmem>>, %arg9: memref<8x2048xf32, #tpu.memory_space<vmem>>, %arg10: memref<16x2048xf32, #tpu.memory_space<vmem>>, %arg11: memref<!tpu.dma_semaphore, #tpu.memory_space<semaphore_mem>>, %arg12: memref<!tpu.dma_semaphore, #tpu.memory_space<semaphore_mem>>, %arg13: memref<!tpu.dma_semaphore, #tpu.memory_space<semaphore_mem>>, %arg14: memref<!tpu.dma_semaphore, #tpu.memory_space<semaphore_mem>>, %arg15: memref<!tpu.dma_semaphore, #tpu.memory_space<semaphore_mem>>) attributes {dimension_semantics = [#tpu.dimension_semantics<core_parallel>, #tpu.dimension_semantics<subcore_parallel>], iteration_bounds = array<i64: 2, 16>, scalar_prefetch = 0 : i64, scratch_operands = 11 : i64, tpu.core_type = #tpu.core_type<sc_vector_subcore>, window_params = [{transform_indices = #map}, {transform_indices = #map1}, {transform_indices = #map}]} {
    %mul3A = arith.constant 2 : i32
    %mul3A_0 = arith.muli %arg1, %mul3A : i32
    %add3A = arith.addi %mul3A_0, %arg0 : i32
    %mul3A_1 = arith.constant 64 : i32
    %mul3A_2 = arith.muli %add3A, %mul3A_1 : i32
    %mul3A_3 = arith.constant 32 : i32
    %mul3A_4 = arith.muli %mul3A_2, %mul3A_3 : i32
    "tpu.region"() ({
      %run_scoped3A = tpu.sem_alloc : memref<!tpu.dma_semaphore, #tpu.memory_space<semaphore_mem>>
      %dma_start3A_42 = tpu.memref_slice %arg3[%mul3A_4] : memref<65536xi32, #tpu.memory_space<hbm>> -> memref<2048xi32, #tpu.memory_space<hbm>>
      %dma_start3A_43 = tpu.memref_slice %arg3[%mul3A_4] : memref<65536xi32, #tpu.memory_space<hbm>> -> memref<2048xi32, #tpu.memory_space<hbm>>
      tpu.enqueue_dma source(%dma_start3A_43 : memref<2048xi32, #tpu.memory_space<hbm>>) target(%arg5 : memref<2048xi32, #tpu.memory_space<vmem>>) target_semaphore(%run_scoped3A : memref<!tpu.dma_semaphore, #tpu.memory_space<semaphore_mem>>)
      %dma_wait3A_44 = tpu.memref_slice %arg3[%mul3A_4] : memref<65536xi32, #tpu.memory_space<hbm>> -> memref<2048xi32, #tpu.memory_space<hbm>>
      %dma_wait3A_45 = tpu.memref_slice %arg3[%mul3A_4] : memref<65536xi32, #tpu.memory_space<hbm>> -> memref<2048xi32, #tpu.memory_space<hbm>>
      tpu.wait_dma2 semaphore(%run_scoped3A : memref<!tpu.dma_semaphore, #tpu.memory_space<semaphore_mem>>) src(%dma_wait3A_45 : memref<2048xi32, #tpu.memory_space<hbm>>) dst(%arg5 : memref<2048xi32, #tpu.memory_space<vmem>>)
      tpu.yield
    }) : () -> ()
    %iota3A = tpu.iota {dimensions = array<i32: 0>} : vector<16xi32>
    %mul3A_5 = arith.constant 2051 : i32
    %mul3A_6 = vector.broadcast %mul3A_5 : i32 to vector<16xi32>
    %mul3A_7 = arith.muli %iota3A, %mul3A_6 : vector<16xi32>
    %add3A_8 = arith.constant 32816 : i32
    %add3A_9 = vector.broadcast %add3A_8 : i32 to vector<16xi32>
    %add3A_10 = arith.addi %mul3A_7, %add3A_9 : vector<16xi32>
    %parallel_loop3A = arith.constant 0 : i32
    %parallel_loop3A_11 = arith.constant 64 : i32
    %parallel_loop3A_12 = arith.constant 1 : i32
    scf.for %parallel_loop3A_42 = %parallel_loop3A to %parallel_loop3A_11 step %parallel_loop3A_12  : i32 {
      %parallel_loop3A_43 = arith.constant 32 : i32
      %parallel_loop3A_44 = arith.muli %parallel_loop3A_42, %parallel_loop3A_43 : i32
      %parallel_loop3A_45 = arith.constant 32 : i32
      %parallel_loop3A_46 = arith.muli %parallel_loop3A_42, %parallel_loop3A_45 : i32
      %parallel_loop3A_47 = arith.constant 16 : i32
      %parallel_loop3A_48 = arith.addi %parallel_loop3A_46, %parallel_loop3A_47 : i32
      %parallel_loop3A_49 = arith.index_cast %parallel_loop3A_44 : i32 to index
      %parallel_loop3A_50 = tpu.vector_load %arg5[%parallel_loop3A_49] {strides = array<i32>} : memref<2048xi32, #tpu.memory_space<vmem>>, vector<16xi32>,
      %parallel_loop3A_51 = vector.shape_cast %parallel_loop3A_50 : vector<16xi32> to vector<16xi32>
      %parallel_loop3A_52 = arith.addi %parallel_loop3A_51, %mul3A_7 : vector<16xi32>
      %parallel_loop3A_53 = arith.index_cast %parallel_loop3A_44 : i32 to index
      %parallel_loop3A_54 = tpu.vector_load %arg5[%parallel_loop3A_53] {strides = array<i32>} : memref<2048xi32, #tpu.memory_space<vmem>>, vector<16xi32>,
      %parallel_loop3A_55 = vector.shape_cast %parallel_loop3A_54 : vector<16xi32> to vector<16xi32>
      %parallel_loop3A_56 = vector.shape_cast %parallel_loop3A_52 : vector<16xi32> to vector<16xi32>
      tpu.vector_store %arg5[%parallel_loop3A_53], %parallel_loop3A_56 {strides = array<i32>} : memref<2048xi32, #tpu.memory_space<vmem>>, vector<16xi32>,
      %parallel_loop3A_57 = arith.index_cast %parallel_loop3A_48 : i32 to index
      %parallel_loop3A_58 = tpu.vector_load %arg5[%parallel_loop3A_57] {strides = array<i32>} : memref<2048xi32, #tpu.memory_space<vmem>>, vector<16xi32>,
      %parallel_loop3A_59 = vector.shape_cast %parallel_loop3A_58 : vector<16xi32> to vector<16xi32>
      %parallel_loop3A_60 = arith.addi %parallel_loop3A_59, %add3A_10 : vector<16xi32>
      %parallel_loop3A_61 = arith.index_cast %parallel_loop3A_48 : i32 to index
      %parallel_loop3A_62 = tpu.vector_load %arg5[%parallel_loop3A_61] {strides = array<i32>} : memref<2048xi32, #tpu.memory_space<vmem>>, vector<16xi32>,
      %parallel_loop3A_63 = vector.shape_cast %parallel_loop3A_62 : vector<16xi32> to vector<16xi32>
      %parallel_loop3A_64 = vector.shape_cast %parallel_loop3A_60 : vector<16xi32> to vector<16xi32>
      tpu.vector_store %arg5[%parallel_loop3A_61], %parallel_loop3A_64 {strides = array<i32>} : memref<2048xi32, #tpu.memory_space<vmem>>, vector<16xi32>,
    } {sc.loop_unroll_factor = 4 : i64, sc.parallel_access}
    %dma_start3A = arith.constant 0 : i32
    %dma_start3A_13 = tpu.memref_slice %arg5[%dma_start3A] : memref<2048xi32, #tpu.memory_space<vmem>> -> memref<8xi32, #tpu.memory_space<vmem>>
    %dma_start3A_14 = arith.constant 0 : i32
    %dma_start3A_15 = arith.constant 0 : i32
    %dma_start3A_16 = tpu.memref_slice %arg2[%dma_start3A_14, %dma_start3A_15] : memref<65632x2048xf32, #tpu.memory_space<hbm>> -> memref<65632x2048xf32, #tpu.memory_space<hbm>>
    tpu.enqueue_indirect_dma source(%dma_start3A_16 : memref<65632x2048xf32, #tpu.memory_space<hbm>>) target(%arg6 : memref<8x2048xf32, #tpu.memory_space<vmem>>) offsets(%dma_start3A_13 : memref<8xi32, #tpu.memory_space<vmem>>) semaphore(%arg11 : memref<!tpu.dma_semaphore, #tpu.memory_space<semaphore_mem>>)
    %dma_start3A_17 = arith.constant 8 : i32
    %dma_start3A_18 = tpu.memref_slice %arg5[%dma_start3A_17] : memref<2048xi32, #tpu.memory_space<vmem>> -> memref<8xi32, #tpu.memory_space<vmem>>
    %dma_start3A_19 = arith.constant 0 : i32
    %dma_start3A_20 = arith.constant 0 : i32
    %dma_start3A_21 = tpu.memref_slice %arg2[%dma_start3A_19, %dma_start3A_20] : memref<65632x2048xf32, #tpu.memory_space<hbm>> -> memref<65632x2048xf32, #tpu.memory_space<hbm>>
    tpu.enqueue_indirect_dma source(%dma_start3A_21 : memref<65632x2048xf32, #tpu.memory_space<hbm>>) target(%arg7 : memref<8x2048xf32, #tpu.memory_space<vmem>>) offsets(%dma_start3A_18 : memref<8xi32, #tpu.memory_space<vmem>>) semaphore(%arg12 : memref<!tpu.dma_semaphore, #tpu.memory_space<semaphore_mem>>)
    %dma_start3A_22 = arith.constant 16 : i32
    %dma_start3A_23 = tpu.memref_slice %arg5[%dma_start3A_22] : memref<2048xi32, #tpu.memory_space<vmem>> -> memref<8xi32, #tpu.memory_space<vmem>>
    %dma_start3A_24 = arith.constant 0 : i32
    %dma_start3A_25 = arith.constant 0 : i32
    %dma_start3A_26 = tpu.memref_slice %arg2[%dma_start3A_24, %dma_start3A_25] : memref<65632x2048xf32, #tpu.memory_space<hbm>> -> memref<65632x2048xf32, #tpu.memory_space<hbm>>
    tpu.enqueue_indirect_dma source(%dma_start3A_26 : memref<65632x2048xf32, #tpu.memory_space<hbm>>) target(%arg8 : memref<8x2048xf32, #tpu.memory_space<vmem>>) offsets(%dma_start3A_23 : memref<8xi32, #tpu.memory_space<vmem>>) semaphore(%arg13 : memref<!tpu.dma_semaphore, #tpu.memory_space<semaphore_mem>>)
    %dma_start3A_27 = arith.constant 24 : i32
    %dma_start3A_28 = tpu.memref_slice %arg5[%dma_start3A_27] : memref<2048xi32, #tpu.memory_space<vmem>> -> memref<8xi32, #tpu.memory_space<vmem>>
    %dma_start3A_29 = arith.constant 0 : i32
    %dma_start3A_30 = arith.constant 0 : i32
    %dma_start3A_31 = tpu.memref_slice %arg2[%dma_start3A_29, %dma_start3A_30] : memref<65632x2048xf32, #tpu.memory_space<hbm>> -> memref<65632x2048xf32, #tpu.memory_space<hbm>>
    tpu.enqueue_indirect_dma source(%dma_start3A_31 : memref<65632x2048xf32, #tpu.memory_space<hbm>>) target(%arg9 : memref<8x2048xf32, #tpu.memory_space<vmem>>) offsets(%dma_start3A_28 : memref<8xi32, #tpu.memory_space<vmem>>) semaphore(%arg14 : memref<!tpu.dma_semaphore, #tpu.memory_space<semaphore_mem>>)
    %scan3A = arith.constant 0 : i32
    %scan3A_32 = arith.constant 0 : i32
    %scan3A_33 = arith.constant 64 : i32
    %scan3A_34 = arith.addi %scan3A_32, %scan3A_33 : i32
    %scan3A_35 = arith.constant 1 : i32
    scf.for %scan3A_42 = %scan3A_32 to %scan3A_34 step %scan3A_35  : i32 {
      %rem3A = arith.constant 16 : i32
      %rem3A_43 = arith.remsi %scan3A_42, %rem3A : i32
      %eq3A = arith.constant 0 : i32
      %eq3A_44 = arith.cmpi eq, %rem3A_43, %eq3A : i32
      %gt3A = arith.constant 0 : i32
      %gt3A_45 = arith.cmpi sgt, %scan3A_42, %gt3A : i32
      %and3A = arith.andi %eq3A_44, %gt3A_45 : i1
      %convert_element_type3A = arith.extui %and3A : i1 to i32
      %cond3A = arith.constant 0 : i32
      %cond3A_46 = arith.cmpi ne, %convert_element_type3A, %cond3A : i32
      scf.if %cond3A_46 {
        %dma_wait3A_115 = arith.constant 0 : i32
        %dma_wait3A_116 = arith.constant 0 : i32
        %dma_wait3A_117 = tpu.memref_slice %arg4[%dma_wait3A_115, %dma_wait3A_116] : memref<2048x2048xf32, #tpu.memory_space<hbm>> -> memref<16x2048xf32, #tpu.memory_space<hbm>>
        %dma_wait3A_118 = arith.constant 0 : i32
        %dma_wait3A_119 = arith.constant 0 : i32
        %dma_wait3A_120 = tpu.memref_slice %arg4[%dma_wait3A_118, %dma_wait3A_119] : memref<2048x2048xf32, #tpu.memory_space<hbm>> -> memref<16x2048xf32, #tpu.memory_space<hbm>>
        tpu.wait_dma2 semaphore(%arg15 : memref<!tpu.dma_semaphore, #tpu.memory_space<semaphore_mem>>) src(%arg10 : memref<16x2048xf32, #tpu.memory_space<vmem>>) dst(%dma_wait3A_120 : memref<16x2048xf32, #tpu.memory_space<hbm>>)
      } else {
      }
      %mul3A_47 = arith.constant 32 : i32
      %mul3A_48 = arith.muli %scan3A_42, %mul3A_47 : i32
      %add3A_49 = arith.constant 0 : i32
      %add3A_50 = arith.addi %mul3A_48, %add3A_49 : i32
      %dma_wait3A_51 = tpu.memref_slice %arg5[%add3A_50] : memref<2048xi32, #tpu.memory_space<vmem>> -> memref<8xi32, #tpu.memory_space<vmem>>
      %dma_wait3A_52 = arith.constant 0 : i32
      %dma_wait3A_53 = arith.constant 0 : i32
      %dma_wait3A_54 = tpu.memref_slice %arg2[%dma_wait3A_52, %dma_wait3A_53] : memref<65632x2048xf32, #tpu.memory_space<hbm>> -> memref<65632x2048xf32, #tpu.memory_space<hbm>>
      tpu.wait_indirect_dma semaphore(%arg11 : memref<!tpu.dma_semaphore, #tpu.memory_space<semaphore_mem>>) src(%dma_wait3A_54 : memref<65632x2048xf32, #tpu.memory_space<hbm>>) dst(%arg6 : memref<8x2048xf32, #tpu.memory_space<vmem>>)
      %parallel_loop3A_55 = arith.constant 0 : i32
      %parallel_loop3A_56 = arith.constant 128 : i32
      %parallel_loop3A_57 = arith.constant 1 : i32
      scf.for %parallel_loop3A_115 = %parallel_loop3A_55 to %parallel_loop3A_56 step %parallel_loop3A_57  : i32 {
        %parallel_loop3A_116 = arith.constant 16 : i32
        %parallel_loop3A_117 = arith.muli %parallel_loop3A_115, %parallel_loop3A_116 : i32
        %parallel_loop3A_118 = arith.constant 0 : i32
        %parallel_loop3A_119 = arith.index_cast %parallel_loop3A_118 : i32 to index
        %parallel_loop3A_120 = arith.index_cast %parallel_loop3A_117 : i32 to index
        %parallel_loop3A_121 = tpu.vector_load %arg6[%parallel_loop3A_119, %parallel_loop3A_120] {strides = array<i32>} : memref<8x2048xf32, #tpu.memory_space<vmem>>, vector<1x16xf32>,
        %parallel_loop3A_122 = vector.shape_cast %parallel_loop3A_121 : vector<1x16xf32> to vector<16xf32>
        %parallel_loop3A_123 = arith.constant 1 : i32
        %parallel_loop3A_124 = arith.index_cast %parallel_loop3A_123 : i32 to index
        %parallel_loop3A_125 = arith.index_cast %parallel_loop3A_117 : i32 to index
        %parallel_loop3A_126 = tpu.vector_load %arg6[%parallel_loop3A_124, %parallel_loop3A_125] {strides = array<i32>} : memref<8x2048xf32, #tpu.memory_space<vmem>>, vector<1x16xf32>,
        %parallel_loop3A_127 = vector.shape_cast %parallel_loop3A_126 : vector<1x16xf32> to vector<16xf32>
        %parallel_loop3A_128 = arith.addf %parallel_loop3A_122, %parallel_loop3A_127 : vector<16xf32>
        %parallel_loop3A_129 = arith.constant 2 : i32
        %parallel_loop3A_130 = arith.index_cast %parallel_loop3A_129 : i32 to index
        %parallel_loop3A_131 = arith.index_cast %parallel_loop3A_117 : i32 to index
        %parallel_loop3A_132 = tpu.vector_load %arg6[%parallel_loop3A_130, %parallel_loop3A_131] {strides = array<i32>} : memref<8x2048xf32, #tpu.memory_space<vmem>>, vector<1x16xf32>,
        %parallel_loop3A_133 = vector.shape_cast %parallel_loop3A_132 : vector<1x16xf32> to vector<16xf32>
        %parallel_loop3A_134 = arith.addf %parallel_loop3A_128, %parallel_loop3A_133 : vector<16xf32>
        %parallel_loop3A_135 = arith.constant 3 : i32
        %parallel_loop3A_136 = arith.index_cast %parallel_loop3A_135 : i32 to index
        %parallel_loop3A_137 = arith.index_cast %parallel_loop3A_117 : i32 to index
        %parallel_loop3A_138 = tpu.vector_load %arg6[%parallel_loop3A_136, %parallel_loop3A_137] {strides = array<i32>} : memref<8x2048xf32, #tpu.memory_space<vmem>>, vector<1x16xf32>,
        %parallel_loop3A_139 = vector.shape_cast %parallel_loop3A_138 : vector<1x16xf32> to vector<16xf32>
        %parallel_loop3A_140 = arith.addf %parallel_loop3A_134, %parallel_loop3A_139 : vector<16xf32>
        %parallel_loop3A_141 = arith.constant 4 : i32
        %parallel_loop3A_142 = arith.index_cast %parallel_loop3A_141 : i32 to index
        %parallel_loop3A_143 = arith.index_cast %parallel_loop3A_117 : i32 to index
        %parallel_loop3A_144 = tpu.vector_load %arg6[%parallel_loop3A_142, %parallel_loop3A_143] {strides = array<i32>} : memref<8x2048xf32, #tpu.memory_space<vmem>>, vector<1x16xf32>,
        %parallel_loop3A_145 = vector.shape_cast %parallel_loop3A_144 : vector<1x16xf32> to vector<16xf32>
        %parallel_loop3A_146 = arith.addf %parallel_loop3A_140, %parallel_loop3A_145 : vector<16xf32>
        %parallel_loop3A_147 = arith.constant 5 : i32
        %parallel_loop3A_148 = arith.index_cast %parallel_loop3A_147 : i32 to index
        %parallel_loop3A_149 = arith.index_cast %parallel_loop3A_117 : i32 to index
        %parallel_loop3A_150 = tpu.vector_load %arg6[%parallel_loop3A_148, %parallel_loop3A_149] {strides = array<i32>} : memref<8x2048xf32, #tpu.memory_space<vmem>>, vector<1x16xf32>,
        %parallel_loop3A_151 = vector.shape_cast %parallel_loop3A_150 : vector<1x16xf32> to vector<16xf32>
        %parallel_loop3A_152 = arith.addf %parallel_loop3A_146, %parallel_loop3A_151 : vector<16xf32>
        %parallel_loop3A_153 = arith.constant 6 : i32
        %parallel_loop3A_154 = arith.index_cast %parallel_loop3A_153 : i32 to index
        %parallel_loop3A_155 = arith.index_cast %parallel_loop3A_117 : i32 to index
        %parallel_loop3A_156 = tpu.vector_load %arg6[%parallel_loop3A_154, %parallel_loop3A_155] {strides = array<i32>} : memref<8x2048xf32, #tpu.memory_space<vmem>>, vector<1x16xf32>,
        %parallel_loop3A_157 = vector.shape_cast %parallel_loop3A_156 : vector<1x16xf32> to vector<16xf32>
        %parallel_loop3A_158 = arith.addf %parallel_loop3A_152, %parallel_loop3A_157 : vector<16xf32>
        %parallel_loop3A_159 = arith.constant 7 : i32
        %parallel_loop3A_160 = arith.index_cast %parallel_loop3A_159 : i32 to index
        %parallel_loop3A_161 = arith.index_cast %parallel_loop3A_117 : i32 to index
        %parallel_loop3A_162 = tpu.vector_load %arg6[%parallel_loop3A_160, %parallel_loop3A_161] {strides = array<i32>} : memref<8x2048xf32, #tpu.memory_space<vmem>>, vector<1x16xf32>,
        %parallel_loop3A_163 = vector.shape_cast %parallel_loop3A_162 : vector<1x16xf32> to vector<16xf32>
        %parallel_loop3A_164 = arith.addf %parallel_loop3A_158, %parallel_loop3A_163 : vector<16xf32>
        %parallel_loop3A_165 = arith.index_cast %rem3A_43 : i32 to index
        %parallel_loop3A_166 = arith.index_cast %parallel_loop3A_117 : i32 to index
        %parallel_loop3A_167 = tpu.vector_load %arg10[%parallel_loop3A_165, %parallel_loop3A_166] {strides = array<i32>} : memref<16x2048xf32, #tpu.memory_space<vmem>>, vector<1x16xf32>,
        %parallel_loop3A_168 = vector.shape_cast %parallel_loop3A_167 : vector<1x16xf32> to vector<16xf32>
        %parallel_loop3A_169 = vector.shape_cast %parallel_loop3A_164 : vector<16xf32> to vector<1x16xf32>
        tpu.vector_store %arg10[%parallel_loop3A_165, %parallel_loop3A_166], %parallel_loop3A_169 {strides = array<i32>} : memref<16x2048xf32, #tpu.memory_space<vmem>>, vector<1x16xf32>,
      } {sc.loop_unroll_factor = 4 : i64, sc.parallel_access}
      %lt3A = arith.constant 63 : i32
      %lt3A_58 = arith.cmpi slt, %scan3A_42, %lt3A : i32
      %convert_element_type3A_59 = arith.extui %lt3A_58 : i1 to i32
      %cond3A_60 = arith.constant 0 : i32
      %cond3A_61 = arith.cmpi ne, %convert_element_type3A_59, %cond3A_60 : i32
      scf.if %cond3A_61 {
        %add3A_115 = arith.constant 1 : i32
        %add3A_116 = arith.addi %scan3A_42, %add3A_115 : i32
        %mul3A_117 = arith.constant 32 : i32
        %mul3A_118 = arith.muli %add3A_116, %mul3A_117 : i32
        %add3A_119 = arith.constant 0 : i32
        %add3A_120 = arith.addi %mul3A_118, %add3A_119 : i32
        %dma_start3A_121 = tpu.memref_slice %arg5[%add3A_120] : memref<2048xi32, #tpu.memory_space<vmem>> -> memref<8xi32, #tpu.memory_space<vmem>>
        %dma_start3A_122 = arith.constant 0 : i32
        %dma_start3A_123 = arith.constant 0 : i32
        %dma_start3A_124 = tpu.memref_slice %arg2[%dma_start3A_122, %dma_start3A_123] : memref<65632x2048xf32, #tpu.memory_space<hbm>> -> memref<65632x2048xf32, #tpu.memory_space<hbm>>
        tpu.enqueue_indirect_dma source(%dma_start3A_124 : memref<65632x2048xf32, #tpu.memory_space<hbm>>) target(%arg6 : memref<8x2048xf32, #tpu.memory_space<vmem>>) offsets(%dma_start3A_121 : memref<8xi32, #tpu.memory_space<vmem>>) semaphore(%arg11 : memref<!tpu.dma_semaphore, #tpu.memory_space<semaphore_mem>>)
      } else {
      }
      %mul3A_62 = arith.constant 32 : i32
      %mul3A_63 = arith.muli %scan3A_42, %mul3A_62 : i32
      %add3A_64 = arith.constant 8 : i32
      %add3A_65 = arith.addi %mul3A_63, %add3A_64 : i32
      %dma_wait3A_66 = tpu.memref_slice %arg5[%add3A_65] : memref<2048xi32, #tpu.memory_space<vmem>> -> memref<8xi32, #tpu.memory_space<vmem>>
      %dma_wait3A_67 = arith.constant 0 : i32
      %dma_wait3A_68 = arith.constant 0 : i32
      %dma_wait3A_69 = tpu.memref_slice %arg2[%dma_wait3A_67, %dma_wait3A_68] : memref<65632x2048xf32, #tpu.memory_space<hbm>> -> memref<65632x2048xf32, #tpu.memory_space<hbm>>
      tpu.wait_indirect_dma semaphore(%arg12 : memref<!tpu.dma_semaphore, #tpu.memory_space<semaphore_mem>>) src(%dma_wait3A_69 : memref<65632x2048xf32, #tpu.memory_space<hbm>>) dst(%arg7 : memref<8x2048xf32, #tpu.memory_space<vmem>>)
      %parallel_loop3A_70 = arith.constant 0 : i32
      %parallel_loop3A_71 = arith.constant 128 : i32
      %parallel_loop3A_72 = arith.constant 1 : i32
      scf.for %parallel_loop3A_115 = %parallel_loop3A_70 to %parallel_loop3A_71 step %parallel_loop3A_72  : i32 {
        %parallel_loop3A_116 = arith.constant 16 : i32
        %parallel_loop3A_117 = arith.muli %parallel_loop3A_115, %parallel_loop3A_116 : i32
        %parallel_loop3A_118 = arith.constant 0 : i32
        %parallel_loop3A_119 = arith.index_cast %parallel_loop3A_118 : i32 to index
        %parallel_loop3A_120 = arith.index_cast %parallel_loop3A_117 : i32 to index
        %parallel_loop3A_121 = tpu.vector_load %arg7[%parallel_loop3A_119, %parallel_loop3A_120] {strides = array<i32>} : memref<8x2048xf32, #tpu.memory_space<vmem>>, vector<1x16xf32>,
        %parallel_loop3A_122 = vector.shape_cast %parallel_loop3A_121 : vector<1x16xf32> to vector<16xf32>
        %parallel_loop3A_123 = arith.constant 1 : i32
        %parallel_loop3A_124 = arith.index_cast %parallel_loop3A_123 : i32 to index
        %parallel_loop3A_125 = arith.index_cast %parallel_loop3A_117 : i32 to index
        %parallel_loop3A_126 = tpu.vector_load %arg7[%parallel_loop3A_124, %parallel_loop3A_125] {strides = array<i32>} : memref<8x2048xf32, #tpu.memory_space<vmem>>, vector<1x16xf32>,
        %parallel_loop3A_127 = vector.shape_cast %parallel_loop3A_126 : vector<1x16xf32> to vector<16xf32>
        %parallel_loop3A_128 = arith.addf %parallel_loop3A_122, %parallel_loop3A_127 : vector<16xf32>
        %parallel_loop3A_129 = arith.constant 2 : i32
        %parallel_loop3A_130 = arith.index_cast %parallel_loop3A_129 : i32 to index
        %parallel_loop3A_131 = arith.index_cast %parallel_loop3A_117 : i32 to index
        %parallel_loop3A_132 = tpu.vector_load %arg7[%parallel_loop3A_130, %parallel_loop3A_131] {strides = array<i32>} : memref<8x2048xf32, #tpu.memory_space<vmem>>, vector<1x16xf32>,
        %parallel_loop3A_133 = vector.shape_cast %parallel_loop3A_132 : vector<1x16xf32> to vector<16xf32>
        %parallel_loop3A_134 = arith.addf %parallel_loop3A_128, %parallel_loop3A_133 : vector<16xf32>
        %parallel_loop3A_135 = arith.constant 3 : i32
        %parallel_loop3A_136 = arith.index_cast %parallel_loop3A_135 : i32 to index
        %parallel_loop3A_137 = arith.index_cast %parallel_loop3A_117 : i32 to index
        %parallel_loop3A_138 = tpu.vector_load %arg7[%parallel_loop3A_136, %parallel_loop3A_137] {strides = array<i32>} : memref<8x2048xf32, #tpu.memory_space<vmem>>, vector<1x16xf32>,
        %parallel_loop3A_139 = vector.shape_cast %parallel_loop3A_138 : vector<1x16xf32> to vector<16xf32>
        %parallel_loop3A_140 = arith.addf %parallel_loop3A_134, %parallel_loop3A_139 : vector<16xf32>
        %parallel_loop3A_141 = arith.constant 4 : i32
        %parallel_loop3A_142 = arith.index_cast %parallel_loop3A_141 : i32 to index
        %parallel_loop3A_143 = arith.index_cast %parallel_loop3A_117 : i32 to index
        %parallel_loop3A_144 = tpu.vector_load %arg7[%parallel_loop3A_142, %parallel_loop3A_143] {strides = array<i32>} : memref<8x2048xf32, #tpu.memory_space<vmem>>, vector<1x16xf32>,
        %parallel_loop3A_145 = vector.shape_cast %parallel_loop3A_144 : vector<1x16xf32> to vector<16xf32>
        %parallel_loop3A_146 = arith.addf %parallel_loop3A_140, %parallel_loop3A_145 : vector<16xf32>
        %parallel_loop3A_147 = arith.constant 5 : i32
        %parallel_loop3A_148 = arith.index_cast %parallel_loop3A_147 : i32 to index
        %parallel_loop3A_149 = arith.index_cast %parallel_loop3A_117 : i32 to index
        %parallel_loop3A_150 = tpu.vector_load %arg7[%parallel_loop3A_148, %parallel_loop3A_149] {strides = array<i32>} : memref<8x2048xf32, #tpu.memory_space<vmem>>, vector<1x16xf32>,
        %parallel_loop3A_151 = vector.shape_cast %parallel_loop3A_150 : vector<1x16xf32> to vector<16xf32>
        %parallel_loop3A_152 = arith.addf %parallel_loop3A_146, %parallel_loop3A_151 : vector<16xf32>
        %parallel_loop3A_153 = arith.constant 6 : i32
        %parallel_loop3A_154 = arith.index_cast %parallel_loop3A_153 : i32 to index
        %parallel_loop3A_155 = arith.index_cast %parallel_loop3A_117 : i32 to index
        %parallel_loop3A_156 = tpu.vector_load %arg7[%parallel_loop3A_154, %parallel_loop3A_155] {strides = array<i32>} : memref<8x2048xf32, #tpu.memory_space<vmem>>, vector<1x16xf32>,
        %parallel_loop3A_157 = vector.shape_cast %parallel_loop3A_156 : vector<1x16xf32> to vector<16xf32>
        %parallel_loop3A_158 = arith.addf %parallel_loop3A_152, %parallel_loop3A_157 : vector<16xf32>
        %parallel_loop3A_159 = arith.constant 7 : i32
        %parallel_loop3A_160 = arith.index_cast %parallel_loop3A_159 : i32 to index
        %parallel_loop3A_161 = arith.index_cast %parallel_loop3A_117 : i32 to index
        %parallel_loop3A_162 = tpu.vector_load %arg7[%parallel_loop3A_160, %parallel_loop3A_161] {strides = array<i32>} : memref<8x2048xf32, #tpu.memory_space<vmem>>, vector<1x16xf32>,
        %parallel_loop3A_163 = vector.shape_cast %parallel_loop3A_162 : vector<1x16xf32> to vector<16xf32>
        %parallel_loop3A_164 = arith.addf %parallel_loop3A_158, %parallel_loop3A_163 : vector<16xf32>
        %parallel_loop3A_165 = arith.index_cast %rem3A_43 : i32 to index
        %parallel_loop3A_166 = arith.index_cast %parallel_loop3A_117 : i32 to index
        %parallel_loop3A_167 = tpu.vector_load %arg10[%parallel_loop3A_165, %parallel_loop3A_166] {strides = array<i32>} : memref<16x2048xf32, #tpu.memory_space<vmem>>, vector<1x16xf32>,
        %parallel_loop3A_168 = vector.shape_cast %parallel_loop3A_167 : vector<1x16xf32> to vector<16xf32>
        %parallel_loop3A_169 = arith.addf %parallel_loop3A_164, %parallel_loop3A_168 : vector<16xf32>
        %parallel_loop3A_170 = arith.index_cast %rem3A_43 : i32 to index
        %parallel_loop3A_171 = arith.index_cast %parallel_loop3A_117 : i32 to index
        %parallel_loop3A_172 = tpu.vector_load %arg10[%parallel_loop3A_170, %parallel_loop3A_171] {strides = array<i32>} : memref<16x2048xf32, #tpu.memory_space<vmem>>, vector<1x16xf32>,
        %parallel_loop3A_173 = vector.shape_cast %parallel_loop3A_172 : vector<1x16xf32> to vector<16xf32>
        %parallel_loop3A_174 = vector.shape_cast %parallel_loop3A_169 : vector<16xf32> to vector<1x16xf32>
        tpu.vector_store %arg10[%parallel_loop3A_170, %parallel_loop3A_171], %parallel_loop3A_174 {strides = array<i32>} : memref<16x2048xf32, #tpu.memory_space<vmem>>, vector<1x16xf32>,
      } {sc.loop_unroll_factor = 4 : i64, sc.parallel_access}
      %lt3A_73 = arith.constant 63 : i32
      %lt3A_74 = arith.cmpi slt, %scan3A_42, %lt3A_73 : i32
      %convert_element_type3A_75 = arith.extui %lt3A_74 : i1 to i32
      %cond3A_76 = arith.constant 0 : i32
      %cond3A_77 = arith.cmpi ne, %convert_element_type3A_75, %cond3A_76 : i32
      scf.if %cond3A_77 {
        %add3A_115 = arith.constant 1 : i32
        %add3A_116 = arith.addi %scan3A_42, %add3A_115 : i32
        %mul3A_117 = arith.constant 32 : i32
        %mul3A_118 = arith.muli %add3A_116, %mul3A_117 : i32
        %add3A_119 = arith.constant 8 : i32
        %add3A_120 = arith.addi %mul3A_118, %add3A_119 : i32
        %dma_start3A_121 = tpu.memref_slice %arg5[%add3A_120] : memref<2048xi32, #tpu.memory_space<vmem>> -> memref<8xi32, #tpu.memory_space<vmem>>
        %dma_start3A_122 = arith.constant 0 : i32
        %dma_start3A_123 = arith.constant 0 : i32
        %dma_start3A_124 = tpu.memref_slice %arg2[%dma_start3A_122, %dma_start3A_123] : memref<65632x2048xf32, #tpu.memory_space<hbm>> -> memref<65632x2048xf32, #tpu.memory_space<hbm>>
        tpu.enqueue_indirect_dma source(%dma_start3A_124 : memref<65632x2048xf32, #tpu.memory_space<hbm>>) target(%arg7 : memref<8x2048xf32, #tpu.memory_space<vmem>>) offsets(%dma_start3A_121 : memref<8xi32, #tpu.memory_space<vmem>>) semaphore(%arg12 : memref<!tpu.dma_semaphore, #tpu.memory_space<semaphore_mem>>)
      } else {
      }
      %mul3A_78 = arith.constant 32 : i32
      %mul3A_79 = arith.muli %scan3A_42, %mul3A_78 : i32
      %add3A_80 = arith.constant 16 : i32
      %add3A_81 = arith.addi %mul3A_79, %add3A_80 : i32
      %dma_wait3A_82 = tpu.memref_slice %arg5[%add3A_81] : memref<2048xi32, #tpu.memory_space<vmem>> -> memref<8xi32, #tpu.memory_space<vmem>>
      %dma_wait3A_83 = arith.constant 0 : i32
      %dma_wait3A_84 = arith.constant 0 : i32
      %dma_wait3A_85 = tpu.memref_slice %arg2[%dma_wait3A_83, %dma_wait3A_84] : memref<65632x2048xf32, #tpu.memory_space<hbm>> -> memref<65632x2048xf32, #tpu.memory_space<hbm>>
      tpu.wait_indirect_dma semaphore(%arg13 : memref<!tpu.dma_semaphore, #tpu.memory_space<semaphore_mem>>) src(%dma_wait3A_85 : memref<65632x2048xf32, #tpu.memory_space<hbm>>) dst(%arg8 : memref<8x2048xf32, #tpu.memory_space<vmem>>)
      %parallel_loop3A_86 = arith.constant 0 : i32
      %parallel_loop3A_87 = arith.constant 128 : i32
      %parallel_loop3A_88 = arith.constant 1 : i32
      scf.for %parallel_loop3A_115 = %parallel_loop3A_86 to %parallel_loop3A_87 step %parallel_loop3A_88  : i32 {
        %parallel_loop3A_116 = arith.constant 16 : i32
        %parallel_loop3A_117 = arith.muli %parallel_loop3A_115, %parallel_loop3A_116 : i32
        %parallel_loop3A_118 = arith.constant 0 : i32
        %parallel_loop3A_119 = arith.index_cast %parallel_loop3A_118 : i32 to index
        %parallel_loop3A_120 = arith.index_cast %parallel_loop3A_117 : i32 to index
        %parallel_loop3A_121 = tpu.vector_load %arg8[%parallel_loop3A_119, %parallel_loop3A_120] {strides = array<i32>} : memref<8x2048xf32, #tpu.memory_space<vmem>>, vector<1x16xf32>,
        %parallel_loop3A_122 = vector.shape_cast %parallel_loop3A_121 : vector<1x16xf32> to vector<16xf32>
        %parallel_loop3A_123 = arith.constant 1 : i32
        %parallel_loop3A_124 = arith.index_cast %parallel_loop3A_123 : i32 to index
        %parallel_loop3A_125 = arith.index_cast %parallel_loop3A_117 : i32 to index
        %parallel_loop3A_126 = tpu.vector_load %arg8[%parallel_loop3A_124, %parallel_loop3A_125] {strides = array<i32>} : memref<8x2048xf32, #tpu.memory_space<vmem>>, vector<1x16xf32>,
        %parallel_loop3A_127 = vector.shape_cast %parallel_loop3A_126 : vector<1x16xf32> to vector<16xf32>
        %parallel_loop3A_128 = arith.addf %parallel_loop3A_122, %parallel_loop3A_127 : vector<16xf32>
        %parallel_loop3A_129 = arith.constant 2 : i32
        %parallel_loop3A_130 = arith.index_cast %parallel_loop3A_129 : i32 to index
        %parallel_loop3A_131 = arith.index_cast %parallel_loop3A_117 : i32 to index
        %parallel_loop3A_132 = tpu.vector_load %arg8[%parallel_loop3A_130, %parallel_loop3A_131] {strides = array<i32>} : memref<8x2048xf32, #tpu.memory_space<vmem>>, vector<1x16xf32>,
        %parallel_loop3A_133 = vector.shape_cast %parallel_loop3A_132 : vector<1x16xf32> to vector<16xf32>
        %parallel_loop3A_134 = arith.addf %parallel_loop3A_128, %parallel_loop3A_133 : vector<16xf32>
        %parallel_loop3A_135 = arith.constant 3 : i32
        %parallel_loop3A_136 = arith.index_cast %parallel_loop3A_135 : i32 to index
        %parallel_loop3A_137 = arith.index_cast %parallel_loop3A_117 : i32 to index
        %parallel_loop3A_138 = tpu.vector_load %arg8[%parallel_loop3A_136, %parallel_loop3A_137] {strides = array<i32>} : memref<8x2048xf32, #tpu.memory_space<vmem>>, vector<1x16xf32>,
        %parallel_loop3A_139 = vector.shape_cast %parallel_loop3A_138 : vector<1x16xf32> to vector<16xf32>
        %parallel_loop3A_140 = arith.addf %parallel_loop3A_134, %parallel_loop3A_139 : vector<16xf32>
        %parallel_loop3A_141 = arith.constant 4 : i32
        %parallel_loop3A_142 = arith.index_cast %parallel_loop3A_141 : i32 to index
        %parallel_loop3A_143 = arith.index_cast %parallel_loop3A_117 : i32 to index
        %parallel_loop3A_144 = tpu.vector_load %arg8[%parallel_loop3A_142, %parallel_loop3A_143] {strides = array<i32>} : memref<8x2048xf32, #tpu.memory_space<vmem>>, vector<1x16xf32>,
        %parallel_loop3A_145 = vector.shape_cast %parallel_loop3A_144 : vector<1x16xf32> to vector<16xf32>
        %parallel_loop3A_146 = arith.addf %parallel_loop3A_140, %parallel_loop3A_145 : vector<16xf32>
        %parallel_loop3A_147 = arith.constant 5 : i32
        %parallel_loop3A_148 = arith.index_cast %parallel_loop3A_147 : i32 to index
        %parallel_loop3A_149 = arith.index_cast %parallel_loop3A_117 : i32 to index
        %parallel_loop3A_150 = tpu.vector_load %arg8[%parallel_loop3A_148, %parallel_loop3A_149] {strides = array<i32>} : memref<8x2048xf32, #tpu.memory_space<vmem>>, vector<1x16xf32>,
        %parallel_loop3A_151 = vector.shape_cast %parallel_loop3A_150 : vector<1x16xf32> to vector<16xf32>
        %parallel_loop3A_152 = arith.addf %parallel_loop3A_146, %parallel_loop3A_151 : vector<16xf32>
        %parallel_loop3A_153 = arith.constant 6 : i32
        %parallel_loop3A_154 = arith.index_cast %parallel_loop3A_153 : i32 to index
        %parallel_loop3A_155 = arith.index_cast %parallel_loop3A_117 : i32 to index
        %parallel_loop3A_156 = tpu.vector_load %arg8[%parallel_loop3A_154, %parallel_loop3A_155] {strides = array<i32>} : memref<8x2048xf32, #tpu.memory_space<vmem>>, vector<1x16xf32>,
        %parallel_loop3A_157 = vector.shape_cast %parallel_loop3A_156 : vector<1x16xf32> to vector<16xf32>
        %parallel_loop3A_158 = arith.addf %parallel_loop3A_152, %parallel_loop3A_157 : vector<16xf32>
        %parallel_loop3A_159 = arith.constant 7 : i32
        %parallel_loop3A_160 = arith.index_cast %parallel_loop3A_159 : i32 to index
        %parallel_loop3A_161 = arith.index_cast %parallel_loop3A_117 : i32 to index
        %parallel_loop3A_162 = tpu.vector_load %arg8[%parallel_loop3A_160, %parallel_loop3A_161] {strides = array<i32>} : memref<8x2048xf32, #tpu.memory_space<vmem>>, vector<1x16xf32>,
        %parallel_loop3A_163 = vector.shape_cast %parallel_loop3A_162 : vector<1x16xf32> to vector<16xf32>
        %parallel_loop3A_164 = arith.addf %parallel_loop3A_158, %parallel_loop3A_163 : vector<16xf32>
        %parallel_loop3A_165 = arith.index_cast %rem3A_43 : i32 to index
        %parallel_loop3A_166 = arith.index_cast %parallel_loop3A_117 : i32 to index
        %parallel_loop3A_167 = tpu.vector_load %arg10[%parallel_loop3A_165, %parallel_loop3A_166] {strides = array<i32>} : memref<16x2048xf32, #tpu.memory_space<vmem>>, vector<1x16xf32>,
        %parallel_loop3A_168 = vector.shape_cast %parallel_loop3A_167 : vector<1x16xf32> to vector<16xf32>
        %parallel_loop3A_169 = arith.addf %parallel_loop3A_164, %parallel_loop3A_168 : vector<16xf32>
        %parallel_loop3A_170 = arith.index_cast %rem3A_43 : i32 to index
        %parallel_loop3A_171 = arith.index_cast %parallel_loop3A_117 : i32 to index
        %parallel_loop3A_172 = tpu.vector_load %arg10[%parallel_loop3A_170, %parallel_loop3A_171] {strides = array<i32>} : memref<16x2048xf32, #tpu.memory_space<vmem>>, vector<1x16xf32>,
        %parallel_loop3A_173 = vector.shape_cast %parallel_loop3A_172 : vector<1x16xf32> to vector<16xf32>
        %parallel_loop3A_174 = vector.shape_cast %parallel_loop3A_169 : vector<16xf32> to vector<1x16xf32>
        tpu.vector_store %arg10[%parallel_loop3A_170, %parallel_loop3A_171], %parallel_loop3A_174 {strides = array<i32>} : memref<16x2048xf32, #tpu.memory_space<vmem>>, vector<1x16xf32>,
      } {sc.loop_unroll_factor = 4 : i64, sc.parallel_access}
      %lt3A_89 = arith.constant 63 : i32
      %lt3A_90 = arith.cmpi slt, %scan3A_42, %lt3A_89 : i32
      %convert_element_type3A_91 = arith.extui %lt3A_90 : i1 to i32
      %cond3A_92 = arith.constant 0 : i32
      %cond3A_93 = arith.cmpi ne, %convert_element_type3A_91, %cond3A_92 : i32
      scf.if %cond3A_93 {
        %add3A_115 = arith.constant 1 : i32
        %add3A_116 = arith.addi %scan3A_42, %add3A_115 : i32
        %mul3A_117 = arith.constant 32 : i32
        %mul3A_118 = arith.muli %add3A_116, %mul3A_117 : i32
        %add3A_119 = arith.constant 16 : i32
        %add3A_120 = arith.addi %mul3A_118, %add3A_119 : i32
        %dma_start3A_121 = tpu.memref_slice %arg5[%add3A_120] : memref<2048xi32, #tpu.memory_space<vmem>> -> memref<8xi32, #tpu.memory_space<vmem>>
        %dma_start3A_122 = arith.constant 0 : i32
        %dma_start3A_123 = arith.constant 0 : i32
        %dma_start3A_124 = tpu.memref_slice %arg2[%dma_start3A_122, %dma_start3A_123] : memref<65632x2048xf32, #tpu.memory_space<hbm>> -> memref<65632x2048xf32, #tpu.memory_space<hbm>>
        tpu.enqueue_indirect_dma source(%dma_start3A_124 : memref<65632x2048xf32, #tpu.memory_space<hbm>>) target(%arg8 : memref<8x2048xf32, #tpu.memory_space<vmem>>) offsets(%dma_start3A_121 : memref<8xi32, #tpu.memory_space<vmem>>) semaphore(%arg13 : memref<!tpu.dma_semaphore, #tpu.memory_space<semaphore_mem>>)
      } else {
      }
      %mul3A_94 = arith.constant 32 : i32
      %mul3A_95 = arith.muli %scan3A_42, %mul3A_94 : i32
      %add3A_96 = arith.constant 24 : i32
      %add3A_97 = arith.addi %mul3A_95, %add3A_96 : i32
      %dma_wait3A_98 = tpu.memref_slice %arg5[%add3A_97] : memref<2048xi32, #tpu.memory_space<vmem>> -> memref<8xi32, #tpu.memory_space<vmem>>
      %dma_wait3A_99 = arith.constant 0 : i32
      %dma_wait3A_100 = arith.constant 0 : i32
      %dma_wait3A_101 = tpu.memref_slice %arg2[%dma_wait3A_99, %dma_wait3A_100] : memref<65632x2048xf32, #tpu.memory_space<hbm>> -> memref<65632x2048xf32, #tpu.memory_space<hbm>>
      tpu.wait_indirect_dma semaphore(%arg14 : memref<!tpu.dma_semaphore, #tpu.memory_space<semaphore_mem>>) src(%dma_wait3A_101 : memref<65632x2048xf32, #tpu.memory_space<hbm>>) dst(%arg9 : memref<8x2048xf32, #tpu.memory_space<vmem>>)
      %parallel_loop3A_102 = arith.constant 0 : i32
      %parallel_loop3A_103 = arith.constant 128 : i32
      %parallel_loop3A_104 = arith.constant 1 : i32
      scf.for %parallel_loop3A_115 = %parallel_loop3A_102 to %parallel_loop3A_103 step %parallel_loop3A_104  : i32 {
        %parallel_loop3A_116 = arith.constant 16 : i32
        %parallel_loop3A_117 = arith.muli %parallel_loop3A_115, %parallel_loop3A_116 : i32
        %parallel_loop3A_118 = arith.constant 0 : i32
        %parallel_loop3A_119 = arith.index_cast %parallel_loop3A_118 : i32 to index
        %parallel_loop3A_120 = arith.index_cast %parallel_loop3A_117 : i32 to index
        %parallel_loop3A_121 = tpu.vector_load %arg9[%parallel_loop3A_119, %parallel_loop3A_120] {strides = array<i32>} : memref<8x2048xf32, #tpu.memory_space<vmem>>, vector<1x16xf32>,
        %parallel_loop3A_122 = vector.shape_cast %parallel_loop3A_121 : vector<1x16xf32> to vector<16xf32>
        %parallel_loop3A_123 = arith.constant 1 : i32
        %parallel_loop3A_124 = arith.index_cast %parallel_loop3A_123 : i32 to index
        %parallel_loop3A_125 = arith.index_cast %parallel_loop3A_117 : i32 to index
        %parallel_loop3A_126 = tpu.vector_load %arg9[%parallel_loop3A_124, %parallel_loop3A_125] {strides = array<i32>} : memref<8x2048xf32, #tpu.memory_space<vmem>>, vector<1x16xf32>,
        %parallel_loop3A_127 = vector.shape_cast %parallel_loop3A_126 : vector<1x16xf32> to vector<16xf32>
        %parallel_loop3A_128 = arith.addf %parallel_loop3A_122, %parallel_loop3A_127 : vector<16xf32>
        %parallel_loop3A_129 = arith.constant 2 : i32
        %parallel_loop3A_130 = arith.index_cast %parallel_loop3A_129 : i32 to index
        %parallel_loop3A_131 = arith.index_cast %parallel_loop3A_117 : i32 to index
        %parallel_loop3A_132 = tpu.vector_load %arg9[%parallel_loop3A_130, %parallel_loop3A_131] {strides = array<i32>} : memref<8x2048xf32, #tpu.memory_space<vmem>>, vector<1x16xf32>,
        %parallel_loop3A_133 = vector.shape_cast %parallel_loop3A_132 : vector<1x16xf32> to vector<16xf32>
        %parallel_loop3A_134 = arith.addf %parallel_loop3A_128, %parallel_loop3A_133 : vector<16xf32>
        %parallel_loop3A_135 = arith.constant 3 : i32
        %parallel_loop3A_136 = arith.index_cast %parallel_loop3A_135 : i32 to index
        %parallel_loop3A_137 = arith.index_cast %parallel_loop3A_117 : i32 to index
        %parallel_loop3A_138 = tpu.vector_load %arg9[%parallel_loop3A_136, %parallel_loop3A_137] {strides = array<i32>} : memref<8x2048xf32, #tpu.memory_space<vmem>>, vector<1x16xf32>,
        %parallel_loop3A_139 = vector.shape_cast %parallel_loop3A_138 : vector<1x16xf32> to vector<16xf32>
        %parallel_loop3A_140 = arith.addf %parallel_loop3A_134, %parallel_loop3A_139 : vector<16xf32>
        %parallel_loop3A_141 = arith.constant 4 : i32
        %parallel_loop3A_142 = arith.index_cast %parallel_loop3A_141 : i32 to index
        %parallel_loop3A_143 = arith.index_cast %parallel_loop3A_117 : i32 to index
        %parallel_loop3A_144 = tpu.vector_load %arg9[%parallel_loop3A_142, %parallel_loop3A_143] {strides = array<i32>} : memref<8x2048xf32, #tpu.memory_space<vmem>>, vector<1x16xf32>,
        %parallel_loop3A_145 = vector.shape_cast %parallel_loop3A_144 : vector<1x16xf32> to vector<16xf32>
        %parallel_loop3A_146 = arith.addf %parallel_loop3A_140, %parallel_loop3A_145 : vector<16xf32>
        %parallel_loop3A_147 = arith.constant 5 : i32
        %parallel_loop3A_148 = arith.index_cast %parallel_loop3A_147 : i32 to index
        %parallel_loop3A_149 = arith.index_cast %parallel_loop3A_117 : i32 to index
        %parallel_loop3A_150 = tpu.vector_load %arg9[%parallel_loop3A_148, %parallel_loop3A_149] {strides = array<i32>} : memref<8x2048xf32, #tpu.memory_space<vmem>>, vector<1x16xf32>,
        %parallel_loop3A_151 = vector.shape_cast %parallel_loop3A_150 : vector<1x16xf32> to vector<16xf32>
        %parallel_loop3A_152 = arith.addf %parallel_loop3A_146, %parallel_loop3A_151 : vector<16xf32>
        %parallel_loop3A_153 = arith.constant 6 : i32
        %parallel_loop3A_154 = arith.index_cast %parallel_loop3A_153 : i32 to index
        %parallel_loop3A_155 = arith.index_cast %parallel_loop3A_117 : i32 to index
        %parallel_loop3A_156 = tpu.vector_load %arg9[%parallel_loop3A_154, %parallel_loop3A_155] {strides = array<i32>} : memref<8x2048xf32, #tpu.memory_space<vmem>>, vector<1x16xf32>,
        %parallel_loop3A_157 = vector.shape_cast %parallel_loop3A_156 : vector<1x16xf32> to vector<16xf32>
        %parallel_loop3A_158 = arith.addf %parallel_loop3A_152, %parallel_loop3A_157 : vector<16xf32>
        %parallel_loop3A_159 = arith.constant 7 : i32
        %parallel_loop3A_160 = arith.index_cast %parallel_loop3A_159 : i32 to index
        %parallel_loop3A_161 = arith.index_cast %parallel_loop3A_117 : i32 to index
        %parallel_loop3A_162 = tpu.vector_load %arg9[%parallel_loop3A_160, %parallel_loop3A_161] {strides = array<i32>} : memref<8x2048xf32, #tpu.memory_space<vmem>>, vector<1x16xf32>,
        %parallel_loop3A_163 = vector.shape_cast %parallel_loop3A_162 : vector<1x16xf32> to vector<16xf32>
        %parallel_loop3A_164 = arith.addf %parallel_loop3A_158, %parallel_loop3A_163 : vector<16xf32>
        %parallel_loop3A_165 = arith.index_cast %rem3A_43 : i32 to index
        %parallel_loop3A_166 = arith.index_cast %parallel_loop3A_117 : i32 to index
        %parallel_loop3A_167 = tpu.vector_load %arg10[%parallel_loop3A_165, %parallel_loop3A_166] {strides = array<i32>} : memref<16x2048xf32, #tpu.memory_space<vmem>>, vector<1x16xf32>,
        %parallel_loop3A_168 = vector.shape_cast %parallel_loop3A_167 : vector<1x16xf32> to vector<16xf32>
        %parallel_loop3A_169 = arith.addf %parallel_loop3A_164, %parallel_loop3A_168 : vector<16xf32>
        %parallel_loop3A_170 = arith.index_cast %rem3A_43 : i32 to index
        %parallel_loop3A_171 = arith.index_cast %parallel_loop3A_117 : i32 to index
        %parallel_loop3A_172 = tpu.vector_load %arg10[%parallel_loop3A_170, %parallel_loop3A_171] {strides = array<i32>} : memref<16x2048xf32, #tpu.memory_space<vmem>>, vector<1x16xf32>,
        %parallel_loop3A_173 = vector.shape_cast %parallel_loop3A_172 : vector<1x16xf32> to vector<16xf32>
        %parallel_loop3A_174 = vector.shape_cast %parallel_loop3A_169 : vector<16xf32> to vector<1x16xf32>
        tpu.vector_store %arg10[%parallel_loop3A_170, %parallel_loop3A_171], %parallel_loop3A_174 {strides = array<i32>} : memref<16x2048xf32, #tpu.memory_space<vmem>>, vector<1x16xf32>,
      } {sc.loop_unroll_factor = 4 : i64, sc.parallel_access}
      %lt3A_105 = arith.constant 63 : i32
      %lt3A_106 = arith.cmpi slt, %scan3A_42, %lt3A_105 : i32
      %convert_element_type3A_107 = arith.extui %lt3A_106 : i1 to i32
      %cond3A_108 = arith.constant 0 : i32
      %cond3A_109 = arith.cmpi ne, %convert_element_type3A_107, %cond3A_108 : i32
      scf.if %cond3A_109 {
        %add3A_115 = arith.constant 1 : i32
        %add3A_116 = arith.addi %scan3A_42, %add3A_115 : i32
        %mul3A_117 = arith.constant 32 : i32
        %mul3A_118 = arith.muli %add3A_116, %mul3A_117 : i32
        %add3A_119 = arith.constant 24 : i32
        %add3A_120 = arith.addi %mul3A_118, %add3A_119 : i32
        %dma_start3A_121 = tpu.memref_slice %arg5[%add3A_120] : memref<2048xi32, #tpu.memory_space<vmem>> -> memref<8xi32, #tpu.memory_space<vmem>>
        %dma_start3A_122 = arith.constant 0 : i32
        %dma_start3A_123 = arith.constant 0 : i32
        %dma_start3A_124 = tpu.memref_slice %arg2[%dma_start3A_122, %dma_start3A_123] : memref<65632x2048xf32, #tpu.memory_space<hbm>> -> memref<65632x2048xf32, #tpu.memory_space<hbm>>
        tpu.enqueue_indirect_dma source(%dma_start3A_124 : memref<65632x2048xf32, #tpu.memory_space<hbm>>) target(%arg9 : memref<8x2048xf32, #tpu.memory_space<vmem>>) offsets(%dma_start3A_121 : memref<8xi32, #tpu.memory_space<vmem>>) semaphore(%arg14 : memref<!tpu.dma_semaphore, #tpu.memory_space<semaphore_mem>>)
      } else {
      }
      %eq3A_110 = arith.constant 15 : i32
      %eq3A_111 = arith.cmpi eq, %rem3A_43, %eq3A_110 : i32
      %convert_element_type3A_112 = arith.extui %eq3A_111 : i1 to i32
      %cond3A_113 = arith.constant 0 : i32
      %cond3A_114 = arith.cmpi ne, %convert_element_type3A_112, %cond3A_113 : i32
      scf.if %cond3A_114 {
        %add3A_115 = arith.addi %mul3A_2, %scan3A_42 : i32
        %sub3A = arith.constant 15 : i32
        %sub3A_116 = arith.subi %add3A_115, %sub3A : i32
        %multiple_of3A = tpu.assume_multiple %sub3A_116, 16 : i32
        %dma_start3A_117 = arith.constant 0 : i32
        %dma_start3A_118 = tpu.memref_slice %arg4[%multiple_of3A, %dma_start3A_117] : memref<2048x2048xf32, #tpu.memory_space<hbm>> -> memref<16x2048xf32, #tpu.memory_space<hbm>>
        %dma_start3A_119 = arith.constant 0 : i32
        %dma_start3A_120 = tpu.memref_slice %arg4[%multiple_of3A, %dma_start3A_119] : memref<2048x2048xf32, #tpu.memory_space<hbm>> -> memref<16x2048xf32, #tpu.memory_space<hbm>>
        tpu.enqueue_dma source(%arg10 : memref<16x2048xf32, #tpu.memory_space<vmem>>) target(%dma_start3A_120 : memref<16x2048xf32, #tpu.memory_space<hbm>>) target_semaphore(%arg15 : memref<!tpu.dma_semaphore, #tpu.memory_space<semaphore_mem>>)
      } else {
      }
    }
    %scan3A_36 = arith.constant 64 : i32
    %dma_wait3A = arith.constant 0 : i32
    %dma_wait3A_37 = arith.constant 0 : i32
    %dma_wait3A_38 = tpu.memref_slice %arg4[%dma_wait3A, %dma_wait3A_37] : memref<2048x2048xf32, #tpu.memory_space<hbm>> -> memref<16x2048xf32, #tpu.memory_space<hbm>>
    %dma_wait3A_39 = arith.constant 0 : i32
    %dma_wait3A_40 = arith.constant 0 : i32
    %dma_wait3A_41 = tpu.memref_slice %arg4[%dma_wait3A_39, %dma_wait3A_40] : memref<2048x2048xf32, #tpu.memory_space<hbm>> -> memref<16x2048xf32, #tpu.memory_space<hbm>>
    tpu.wait_dma2 semaphore(%arg15 : memref<!tpu.dma_semaphore, #tpu.memory_space<semaphore_mem>>) src(%arg10 : memref<16x2048xf32, #tpu.memory_space<vmem>>) dst(%dma_wait3A_41 : memref<16x2048xf32, #tpu.memory_space<hbm>>)
    return
  }
}

</mosaic_0001>

<sc_bundles>
// kernel: kernel.3.cloned.1.call-start
scs
__scs_entry_jumppad:
0x0: {  	(pc) =	sbr.rel $0x88, $3  }
0x1: {  	(tag) =	ssettag $0x0;
	lr =	simm.s32 $0x1  }
0x2: {  	[smem:$0x3F9F] =	sst lr;
	_ =	strace $0xD0000000  }
0x3: {  	_ = 	snop  }
0x4: {  	_ = 	snop  }
0x5: {  	_ = 	snop  }
0x6: {  	_ = 	snop  }
0x7: {  	_ = 	snop  }
__scs_overlays_trampoline_lowered:
0x8: {  	[smem:$0x3FAE] =	sst s0  }
0x9: {  	[smem:$0x3FAF] =	sst s1  }
0xa: {  	[smem:$0x3FB0] =	sst s2  }
0xb: {  	[smem:$0x3FB1] =	sst s3  }
0xc: {  	[smem:$0x3FB2] =	sst s4  }
0xd: {  	[smem:$0x3FB3] =	sst s5  }
0xe: {  	[smem:$0x3FB4] =	sst s6  }
0xf: {  	[smem:$0x3FB5] =	sst s7  }
0x10: {  	[smem:$0x3FB6] =	sst s8  }
0x11: {  	[smem:$0x3FB7] =	sst s9;
	s0 =	simm.s32 @!p0 $0x0  }
0x12: {  	s1 =	sld [smem:$0x3F9D];
	s0 =	simm.s32 @p0 $0x1  }
0x13: {  	[smem:$0x3FB8] =	sst s0;
	s0 =	simm.s32 @!p1 $0x0  }
0x14: {  	s2 =	sld [smem:$0x3F9C];
	s0 =	simm.s32 @p1 $0x1  }
0x15: {  	[smem:$0x3FB9] =	sst s0;
	s0 =	simm.s32 @!p2 $0x0  }
0x16: {  	s3 =	sld [smem:$0x3FDB];
	s0 =	simm.s32 @p2 $0x1  }
0x17: {  	s4 =	simm.s32 $0x1BF5;
	[smem:$0x3FBB] =	sst s0  }
0x18: {  	s0 =	sld [smem:$0x3F9E];
	_ =	swait.ge [sflag:s4], $0x0  }
0x19: {  	s7 =	sld [smem:$0x3F9F]  }
0x1a: {  	s8 =	sadd.s32 $0xFFFFE003, lr  }
0x1b: {  	s9 =	sadd.s32 $0xFFFFFEF7, lr;
	s5 =	simm.s32 $0xFFFFFFFF;
	p2 =	slt.u32 s8, $0xFFFFF086  }
0x1c: {  	p1 =	slt.u32 s9, $0xF7A;
	s5 =	simm.s32 @!p2 $0x0  }
0x1d: {  	s5 =	simm.s32 @p1 $0x1;
	p0 =	seq.s32 s7, s2  }
0x1e: {  	s7 =	smul.u32 @!p0 $0xF7A, s2;
	p2 =	seq.s32 @!p0 s5, $0x0  }
0x1f: {  	s9 =	smul.u32 $0xF7A, s1;
	s8 =	simm.s32 @!p0 $0x1BF5;
	p2 =	por !p2, p0  }
0x20: {  	[sflag:s8] =	ssyncset.s32 @!p0 $0xFFFFF086;
	s6 =	sadd.s32 @!p0 s3, s7;
	s7 =	simm.s32 @!p0 $0x108  }
0x21: {  	s3 =	sadd.s32 s3, s9;
	s6 =	sadd.s32 @!p0 $0x88, s6;
	s7 =	simm.s32 @p2 $0x1082  }
0x22: {  	[simem:s7], [sflag:s8] =	dma.local @!p0 [hbm:s6], $0xF7A  }
0x23: {  	s9 =	sor.u32 $0xD0000000, s2;
	s6 =	simm.s32 $0x108;
	_ =	swait.ge @!p0 [sflag:s8], $0x0  }
0x24: {  	s3 =	sadd.s32 $0x88, s3;
	s6 =	simm.s32 @!p1 $0x1082;
	[sflag:s4] =	ssyncset.s32 $0xFFFFF086  }
0x25: {  	[simem:s6], [sflag:s4] =	dma.local [hbm:s3], $0xF7A  }
0x26: {  	[smem:$0x3F9F] =	sst s1;
	(tag) =	ssettag s2;
	_ =	strace s9  }
0x27: {  	s1 =	sld [smem:$0x3FAF]  }
0x28: {  	s2 =	sld [smem:$0x3FB0]  }
0x29: {  	s4 =	sld [smem:$0x3FB2]  }
0x2a: {  	p0 =	seq.s32 s5, $0x0;
	s5 =	sld [smem:$0x3FB3]  }
0x2b: {  	s6 =	sld [smem:$0x3FB4]  }
0x2c: {  	s7 =	sld [smem:$0x3FB5]  }
0x2d: {  	s3 =	simm.s32 $0x108;
	s8 =	sld [smem:$0x3FB6]  }
0x2e: {  	s3 =	simm.s32 @!p0 $0x1082;
	s9 =	sld [smem:$0x3FB7]  }
0x2f: {  	lr =	sadd.s32 s0, s3;
	s0 =	sld [smem:$0x3FAE]  }
0x30: {  	s3 =	sld [smem:$0x3FB1]  }
0x31: {  	[smem:$0x3FBA] =	sst s10  }
0x32: {  	s10 =	sld [smem:$0x3FB8];
	_ =	sdelay $0x3  }
0x33: {  	p0 =	seq.s32 s10, $0x1;
	s10 =	sld [smem:$0x3FBA];
	_ =	sdelay $0x3  }
0x34: {  	[smem:$0x3FBA] =	sst s10  }
0x35: {  	s10 =	sld [smem:$0x3FB9];
	_ =	sdelay $0x3  }
0x36: {  	p1 =	seq.s32 s10, $0x1;
	s10 =	sld [smem:$0x3FBA];
	_ =	sdelay $0x3  }
0x37: {  	[smem:$0x3FBA] =	sst s10  }
0x38: {  	s10 =	sld [smem:$0x3FBB]  }
0x39: {  	_ = 	snop;
	(pc) =	sbr.ind lr, $3  }
0x3a: {  	_ = 	snop  }
0x3b: {  	_ = 	snop  }
0x3c: {  	p2 =	seq.s32 s10, $0x1;
	s10 =	sld [smem:$0x3FBA]  }
0x3d: {  	_ =	shalt  }
0x3e: {  	_ =	shalt  }
0x3f: {  	_ =	shalt  }
0x40: {  	_ =	shalt  }
0x41: {  	_ =	shalt  }
0x42: {  	_ =	shalt  }
0x43: {  	_ =	shalt  }
0x44: {  	_ =	shalt  }
0x45: {  	_ =	shalt  }
0x46: {  	_ =	shalt  }
0x47: {  	_ =	shalt  }
0x48: {  	_ =	shalt  }
0x49: {  	_ =	shalt  }
0x4a: {  	_ =	shalt  }
0x4b: {  	_ =	shalt  }
0x4c: {  	_ =	shalt  }
0x4d: {  	_ =	shalt  }
0x4e: {  	_ =	shalt  }
0x4f: {  	_ =	shalt  }
0x50: {  	_ =	shalt  }
0x51: {  	_ =	shalt  }
0x52: {  	_ =	shalt  }
0x53: {  	_ =	shalt  }
0x54: {  	_ =	shalt  }
0x55: {  	_ =	shalt  }
0x56: {  	_ =	shalt  }
0x57: {  	_ =	shalt  }
0x58: {  	_ =	shalt  }
0x59: {  	_ =	shalt  }
0x5a: {  	_ =	shalt  }
0x5b: {  	_ =	shalt  }
0x5c: {  	_ =	shalt  }
0x5d: {  	_ =	shalt  }
0x5e: {  	_ =	shalt  }
0x5f: {  	_ =	shalt  }
0x60: {  	_ =	shalt  }
0x61: {  	_ =	shalt  }
0x62: {  	_ =	shalt  }
0x63: {  	_ =	shalt  }
0x64: {  	_ =	shalt  }
0x65: {  	_ =	shalt  }
0x66: {  	_ =	shalt  }
0x67: {  	_ =	shalt  }
0x68: {  	_ =	shalt  }
0x69: {  	_ =	shalt  }
0x6a: {  	_ =	shalt  }
0x6b: {  	_ =	shalt  }
0x6c: {  	_ =	shalt  }
0x6d: {  	_ =	shalt  }
0x6e: {  	_ =	shalt  }
0x6f: {  	_ =	shalt  }
0x70: {  	_ =	shalt  }
0x71: {  	_ =	shalt  }
0x72: {  	_ =	shalt  }
0x73: {  	_ =	shalt  }
0x74: {  	_ =	shalt  }
0x75: {  	_ =	shalt  }
0x76: {  	_ =	shalt  }
0x77: {  	_ =	shalt  }
0x78: {  	_ =	shalt  }
0x79: {  	_ =	shalt  }
0x7a: {  	_ =	shalt  }
0x7b: {  	_ =	shalt  }
0x7c: {  	_ =	shalt  }
0x7d: {  	_ =	shalt  }
0x7e: {  	_ =	shalt  }
0x7f: {  	_ =	shalt  }
0x80: {  	_ =	shalt  }
0x81: {  	_ =	shalt  }
0x82: {  	_ =	shalt  }
0x83: {  	_ =	shalt  }
0x84: {  	_ =	shalt  }
0x85: {  	_ =	shalt  }
0x86: {  	_ =	shalt  }
0x87: {  	_ =	shalt  }
.Lfunc_end0:
.L_simem_size_0:
called_computation_lowered:
.L_overlay_start_0:
0x88: {  	s2 =	sld [smem:$0x3FD9]  }
0x89: {  	s3 =	sld [smem:$0x3FFE];
	_ =	sdelay $0x1  }
0x8a: {  	s1 =	srdreg.scid  }
0x8b: {  	s0 =	sand.u32 $0x1, s1  }
0x8c: {  	s17 =	sshll.u32 s0, $0xA;
	s2 =	sadd.s32 s3, s2  }
0x8d: {  	s2 =	sadd.s32 s2, s17  }
0x8e: {  	[smem:$0x3FC6] =	sst s2  }
0x8f: {  	_ = 	snop  }
0x90: {  	s2 =	sld [smem:$0x3FC8]  }
0x91: {  	s18 =	sld [smem:$0x3FD0];
	(tm) =	ssettm $0x1  }
0x92: {  	s4 =	sld [smem:$0x3FFB];
	_ =	sdelay $0x3  }
0x93: {  	_ =	strace s4  }
0x94: {  	s4 =	sld [smem:$0x3FFC];
	_ =	sdelay $0x3  }
0x95: {  	_ =	strace s4  }
0x96: {  	s4 =	sld [smem:$0x3FFD];
	_ =	sdelay $0x3  }
0x97: {  	_ =	strace s4  }
0x98: {  	_ =	strace $0x8FFFFFFF  }
0x99: {  	s19 =	sld [smem:$0x3FDB];
	_ =	sdelay $0x1  }
0x9a: {  	s5 =	simm.s32 $_scs_section_size  }
0x9b: {  	s6 =	simm.s32 $_size__tile_overlayer_lowered;
	s7 =	simm.s32 $_tile_overlayer_lowered  }
0x9c: {  	s22 =	simm.s32 $0x1BFF;
	s21 =	sshll.u32 s7, $0x1;
	s4 =	sadd.s32 s5, s19  }
0x9d: {  	s8 =	simm.s32 $0x0;
	s20 =	sshll.u32 s6, $0x1;
	s6 =	sadd.s32 s21, s4  }
0x9e: {  	[timem:s8], [sflag:s22] =	dma.local [hbm:s6], s20  }
0x9f: {  	_ =	swait.ge [sflag:s22], s20  }
0xa0: {  	s5 =	ssub.s32 $0x0, s20;
	[sflag:s22] =	ssyncset.done $0x0  }
0xa1: {  	[sflag:s22] =	ssyncadd.s32 s5;
	_ =	sdelay $0x1  }
0xa2: {  	s23 =	simm.s32 $0x1B8B  }
0xa3: {  	_ =	swait.ge [sflag:s23], $0x1  }
0xa4: {  	[sflag:s23] =	ssyncset.done $0x0  }
0xa5: {  	s25 =	simm.s32 $0x1B8E;
	s24 =	sld [smem:$0x3FFE];
	[sflag:s23] =	ssyncadd.s32 $0xFFFFFFFF  }
0xa6: {  	s26 =	simm.s32 $execute0_lowered;
	[smem:$0x3FD2] =	sst s25  }
0xa7: {  	s6 =	sshll.u32 s26, $0x1;
	_ =	strace $0x80000046;
	[dreg:$0x1] =	wrdreg $0xFFFFFFFF  }
0xa8: {  	s28 =	simm.s32 $_size_execute0_lowered;
	s4 =	sadd.s32 s4, s6;
	[dreg:$0x0] =	wrdreg $0x0  }
0xa9: {  	s6 =	sshll.u32 s28, $0x1;
	[dreg:$0x2] =	wrdreg s4  }
0xaa: {  	[dreg:$0x3] =	wrdreg s6  }
0xab: {  	[dreg:$0x4] =	wrdreg $0xC0  }
0xac: {  	_ =	task [dreg:s8], $0x5FFFF  }
0xad: {  	[dreg:$0x1] =	wrdreg $0xFFFFFFFF  }
0xae: {  	[dreg:$0x0] =	wrdreg $0x60  }
0xaf: {  	[dreg:$0x2] =	wrdreg s2  }
0xb0: {  	[dreg:$0x3] =	wrdreg s24  }
0xb1: {  	[dreg:$0x4] =	wrdreg s18  }
0xb2: {  	[dreg:$0x5] =	wrdreg $0x9  }
0xb3: {  	_ =	task.clear_ibuf [dreg:s8], $0x6FFFF;
	_ =	strace $0x90000046  }
0xb4: {  	s29 =	simm.s32 $0x9;
	_ =	strace $0x80000048  }
0xb5: {  	_ =	swait.ge [sflag:s29], $0x1  }
0xb6: {  	[sflag:s29] =	ssyncadd.s32 $0xFFFFFFFF  }
0xb7: {  	_ =	strace $0x90000048  }
0xb8: {  	_ =	sfence  }
0xb9: {  	s30 =	sld [smem:$0x0];
	_ =	sdelay $0x2  }
0xba: {  	s31 =	sshll.u32 s1, $0xD;
	s1 =	sshrl.u32 s1, $0x2  }
0xbb: {  	s3 =	sand.u32 $0x4000, s31;
	s1 =	sadd.s32 s1, s30  }
0xbc: {  	s0 =	sor.u32 s3, s0;
	s1 =	sshll.u32 s1, $0x11  }
0xbd: {  	s0 =	sor.u32 s1, s0  }
0xbe: {  	s0 =	sadd.s32 $0x8F2B, s0  }
0xbf: {  	[sflag:s0] =	ssyncadd.remote.s32 $0x1  }
0xc0: {  	_ =	sfence.sel $0xFFFF  }
0xc1: {  	[dreg:$0x0] =	wrdreg $0xFFFFFFFF;
	(pc) =	sbr.abs _section_cstart, $3  }
0xc2: {  	[dreg:$0x1] =	wrdreg $0xFFFFFFFF  }
0xc3: {  	_ =	task.clear_ibuf [dreg:s8], $0x2FFFF;
	_ =	strace $0x9FFFFFFF  }
0xc4: {  	(tm) =	ssettm $0x7FFFFFFF  }
0xc5: {  	_ =	shalt  }
tec
execute0_lowered:
.L_overlay_start_1:
0x0: {  	(tag) =	ssettag $0x1  }
0x1: {  	s5 =	rddreg [dreg:$0x0]  }
0x2: {  	s0 =	rddreg [dreg:$0x1]  }
0x3: {  	s1 =	srdreg.scid;
	s2 =	rddreg [dreg:$0x2];
	s6 =	simm.s32 $0x0  }
0x4: {  	s3 =	stileid.u32;
	[smem:$0x7FF] =	sst s6;
	s22 =	sadd.s32 $0x100, s5  }
0x5: {  	s23 =	sadd.s32 $0x200, s5;
	_ =	strace $0x80000047;
	[dreg:$0x5] =	wrdreg s22  }
0x6: {  	s1 =	sand.u32 $0x1, s1;
	s24 =	sadd.s32 $0x300, s5;
	[dreg:$0x6] =	wrdreg s23  }
0x7: {  	s3 =	sshll.u32 s3, $0x1;
	s25 =	sadd.s32 $0x400, s5;
	[dreg:$0x7] =	wrdreg s24  }
0x8: {  	s26 =	sadd.s32 $0x500, s5;
	s29 =	sadd.s32 $0x600, s5;
	[dreg:$0x8] =	wrdreg s25  }
0x9: {  	s30 =	sadd.s32 $0x700, s5;
	s3 =	sor.u32 s1, s3;
	[dreg:$0x9] =	wrdreg s26  }
0xa: {  	s1 =	ssub.s32 $0x2, s1;
	[dreg:$0xa] =	wrdreg s29;
	s4 =	sshll.u32 s3, $0x8  }
0xb: {  	[dreg:$0xb] =	wrdreg s30;
	s21 =	sshrl.u32 s1, $0x1;
	s0 =	sadd.s32 s4, s0  }
0xc: {  	v2 =	vlaneseq.u32;
	s28 =	sshll.u32 s3, $0xE;
	s1 =	ssub.s32 s1, s21;
	s0 =	sadd.s32 $0x400, s0  }
0xd: {  	v0 =	vmul.u32 $0x803, v2;
	s31 =	smax.u32 s1, $0x1;
	[dreg:$0x4] =	wrdreg s0;
	s0 =	sadd.s32 s28, s2  }
0xe: {  	vm0 =	vmmov $0xffff;
	v3 =	vshrl.u32 v2, $0x3;
	[dreg:$0xd] =	wrdreg s31;
	s0 =	sadd.s32 $0xFFFFF100, s0  }
0xf: {  	v2 =	vand.u32 $0x7, v2;
	v3 =	vmul.u32 $0x8, v3;
	v1 =	vadd.s32 $0x8030, v0;
	s2 =	simm.s32 $0x0;
	[dreg:$0xc] =	wrdreg s0  }
.LBB2_1:
0x10: {  	[dreg:$0xe] =	wrdreg s2  }
0x11: {  	s0 =	simm.s32 $0x0;
	s1 =	rddreg [dreg:$0x4];
	s31 =	simm.s32 $0x6  }
0x12: {  	[tilespmem:s0], [sflag:$0x6] =	stream.linear.gather [hbm4b:s1+s0], $0x800, $0x38;
	[tilespmem:$0x18800] =	vst v63  }
0x13: {  	_ =	swait.ge [sflag:s31], $0x800  }
0x14: {  	[sflag:s31] =	ssyncset.done $0x0  }
0x15: {  	s0 =	simm.s32 $0x40;
	[sflag:s31] =	ssyncadd.s32 $0xFFFFF800  }
0x16: {  	v5 =	vld [tilespmem:s0+$0x30];
	_ =	sdelay $0x1  }
0x17: {  	v7 =	vld [tilespmem:s0+$0xFFFFFFD0]  }
0x18: {  	v9 =	vld [tilespmem:s0+$0xFFFFFFE0]  }
0x19: {  	v6 =	vld [tilespmem:s0+$0xFFFFFFF0]  }
0x1a: {  	v4 =	vld [tilespmem:s0+$0x0];
	v8 =	vadd.s32 v1, v5  }
0x1b: {  	[tilespmem:s0+$0x30] =	vst v8;
	v8 =	vld [tilespmem:s0+$0x10]  }
0x1c: {  	v5 =	vld [tilespmem:s0+$0x20];
	v10 =	vadd.s32 v1, v7  }
0x1d: {  	s2 =	simm.s32 $0xC0;
	s1 =	simm.s32 $0x0;
	v7 =	vld [tilespmem:s0+$0xFFFFFFC0];
	v9 =	vadd.s32 v0, v9;
	[tilespmem:s0+$0xFFFFFFD0] =	vst v10  }
.LBB2_2:
0x1e: {  	v10 =	vld [tilespmem:s2+$0x30];
	s1 =	sadd.s32 $0x4, s1;
	[tilespmem:s0+$0xFFFFFFE0] =	vst v9;
	v6 =	vadd.s32 v1, v6  }
0x1f: {  	v9 =	vld [tilespmem:s2+$0xFFFFFFD0];
	p0 =	slt.u32 s1, $0x3C;
	[tilespmem:s0+$0xFFFFFFF0] =	vst v6;
	v4 =	vadd.s32 v0, v4  }
0x20: {  	v11 =	vld [tilespmem:s2+$0xFFFFFFE0];
	[tilespmem:s0+$0x0] =	vst v4;
	v4 =	vadd.s32 v1, v8  }
.Ltmp0:
0x21: {  	v6 =	vld [tilespmem:s2+$0xFFFFFFF0];
	[tilespmem:s0+$0x10] =	vst v4;
	v5 =	vadd.s32 v0, v5;
	(pc) =	sbr.rel @p0 .LBB2_2-.Ltmp0, $4  }
0x22: {  	v4 =	vld [tilespmem:s2+$0x0];
	v7 =	vadd.s32 v0, v7;
	[tilespmem:s0+$0x20] =	vst v5  }
0x23: {  	v8 =	vld [tilespmem:s2+$0x10];
	v10 =	vadd.s32 v1, v10;
	[tilespmem:s0+$0xFFFFFFC0] =	vst v7;
	s0 =	smov.u32 s2  }
0x24: {  	v9 =	vadd.s32 v1, v9;
	v5 =	vld [tilespmem:s2+$0x20];
	[tilespmem:s2+$0x30] =	vst v10  }
0x25: {  	s2 =	sadd.s32 $0x80, s2;
	v7 =	vld [tilespmem:s0+$0xFFFFFFC0];
	[tilespmem:s0+$0xFFFFFFD0] =	vst v9;
	v9 =	vadd.s32 v0, v11  }
0x26: {  	[tilespmem:s0+$0xFFFFFFE0] =	vst v9;
	v6 =	vadd.s32 v1, v6  }
0x27: {  	[tilespmem:s0+$0xFFFFFFF0] =	vst v6;
	v4 =	vadd.s32 v0, v4  }
0x28: {  	[tilespmem:s0+$0x0] =	vst v4;
	v4 =	vadd.s32 v1, v8  }
0x29: {  	[tilespmem:s0+$0x10] =	vst v4;
	v4 =	vadd.s32 v0, v5  }
0x2a: {  	v5 =	vadd.s32 v0, v7;
	[tilespmem:s0+$0x20] =	vst v4  }
0x2b: {  	[tilespmem:s0+$0xFFFFFFC0] =	vst v5  }
0x2c: {  	v4 =	vld.msk [tilespmem:$0x0], $0xff;
	_ =	sdelay $0x4  }
0x2d: {  	v5 =	vshll.u32 v4, $0x4  }
0x2e: {  	v4 =	vand.u32 $0x7, v4;
	v5 =	vand.u32 $0xFFFFFF80, v5  }
0x2f: {  	v4 =	vor.u32 v4, v5  }
0x30: {  	v4 =	vperm.xlane v4, v2;
	_ =	sdelay $0x1  }
0x31: {  	v4 =	vadd.s32 v3, v4;
	_ =	sdelay $0x3  }
0x32: {  	s9 =	simm.s32 $0x0;
	s24 =	rddreg [dreg:$0x0];
	s1 =	simm.s32 $0x800  }
0x33: {  	[tilespmem:s1], [sflag:$0x1] =	stream.indirect_vreg.gather [hbm4b:s24+s9], $0x80, v4, vm0, $0xb8;
	[tilespmem:$0x18800] =	vst v63  }
0x34: {  	s2 =	simm.s32 $0x1000;
	s25 =	rddreg [dreg:$0x5]  }
0x35: {  	[tilespmem:s2], [sflag:$0x1] =	stream.indirect_vreg.gather [hbm4b:s25+s9], $0x80, v4, vm0, $0xb8;
	[tilespmem:$0x18800] =	vst v63  }
0x36: {  	s3 =	simm.s32 $0x1800;
	s26 =	rddreg [dreg:$0x6]  }
0x37: {  	[tilespmem:s3], [sflag:$0x1] =	stream.indirect_vreg.gather [hbm4b:s26+s9], $0x80, v4, vm0, $0xb8;
	[tilespmem:$0x18800] =	vst v63  }
0x38: {  	s4 =	simm.s32 $0x2000;
	s28 =	rddreg [dreg:$0x7]  }
0x39: {  	[tilespmem:s4], [sflag:$0x1] =	stream.indirect_vreg.gather [hbm4b:s28+s9], $0x80, v4, vm0, $0xb8;
	[tilespmem:$0x18800] =	vst v63  }
0x3a: {  	s5 =	simm.s32 $0x2800;
	s4 =	rddreg [dreg:$0x8]  }
0x3b: {  	[tilespmem:s5], [sflag:$0x1] =	stream.indirect_vreg.gather [hbm4b:s4+s9], $0x80, v4, vm0, $0xb8;
	[tilespmem:$0x18800] =	vst v63  }
0x3c: {  	s6 =	simm.s32 $0x3000;
	s5 =	rddreg [dreg:$0x9]  }
0x3d: {  	[tilespmem:s6], [sflag:$0x1] =	stream.indirect_vreg.gather [hbm4b:s5+s9], $0x80, v4, vm0, $0xb8;
	[tilespmem:$0x18800] =	vst v63  }
0x3e: {  	s7 =	simm.s32 $0x3800;
	s6 =	rddreg [dreg:$0xa]  }
0x3f: {  	[tilespmem:s7], [sflag:$0x1] =	stream.indirect_vreg.gather [hbm4b:s6+s9], $0x80, v4, vm0, $0xb8;
	[tilespmem:$0x18800] =	vst v63  }
0x40: {  	s8 =	simm.s32 $0x4000;
	s7 =	rddreg [dreg:$0xb]  }
0x41: {  	[tilespmem:s8], [sflag:$0x1] =	stream.indirect_vreg.gather [hbm4b:s7+s9], $0x80, v4, vm0, $0xb8;
	[tilespmem:$0x18800] =	vst v63  }
0x42: {  	v4 =	vld.msk [tilespmem:$0x8], $0xff;
	_ =	sdelay $0x4  }
0x43: {  	v5 =	vshll.u32 v4, $0x4  }
0x44: {  	v4 =	vand.u32 $0x7, v4;
	v5 =	vand.u32 $0xFFFFFF80, v5  }
0x45: {  	v4 =	vor.u32 v4, v5  }
0x46: {  	v4 =	vperm.xlane v4, v2;
	_ =	sdelay $0x1  }
0x47: {  	v4 =	vadd.s32 v3, v4;
	_ =	sdelay $0x3  }
0x48: {  	s29 =	simm.s32 $0x4800  }
0x49: {  	[tilespmem:s29], [sflag:$0x2] =	stream.indirect_vreg.gather [hbm4b:s24+s9], $0x80, v4, vm0, $0xb8;
	[tilespmem:$0x18800] =	vst v63  }
0x4a: {  	s30 =	simm.s32 $0x5000  }
0x4b: {  	[tilespmem:s30], [sflag:$0x2] =	stream.indirect_vreg.gather [hbm4b:s25+s9], $0x80, v4, vm0, $0xb8;
	[tilespmem:$0x18800] =	vst v63  }
0x4c: {  	s31 =	simm.s32 $0x5800  }
0x4d: {  	[tilespmem:s31], [sflag:$0x2] =	stream.indirect_vreg.gather [hbm4b:s26+s9], $0x80, v4, vm0, $0xb8;
	[tilespmem:$0x18800] =	vst v63  }
0x4e: {  	s10 =	simm.s32 $0x6000  }
0x4f: {  	[tilespmem:s10], [sflag:$0x2] =	stream.indirect_vreg.gather [hbm4b:s28+s9], $0x80, v4, vm0, $0xb8;
	[tilespmem:$0x18800] =	vst v63  }
0x50: {  	s11 =	simm.s32 $0x6800  }
0x51: {  	[tilespmem:s11], [sflag:$0x2] =	stream.indirect_vreg.gather [hbm4b:s4+s9], $0x80, v4, vm0, $0xb8;
	[tilespmem:$0x18800] =	vst v63  }
0x52: {  	s12 =	simm.s32 $0x7000  }
0x53: {  	[tilespmem:s12], [sflag:$0x2] =	stream.indirect_vreg.gather [hbm4b:s5+s9], $0x80, v4, vm0, $0xb8;
	[tilespmem:$0x18800] =	vst v63  }
0x54: {  	s13 =	simm.s32 $0x7800  }
0x55: {  	[tilespmem:s13], [sflag:$0x2] =	stream.indirect_vreg.gather [hbm4b:s6+s9], $0x80, v4, vm0, $0xb8;
	[tilespmem:$0x18800] =	vst v63  }
0x56: {  	s14 =	simm.s32 $0x8000  }
0x57: {  	[tilespmem:s14], [sflag:$0x2] =	stream.indirect_vreg.gather [hbm4b:s7+s9], $0x80, v4, vm0, $0xb8;
	[tilespmem:$0x18800] =	vst v63  }
0x58: {  	v4 =	vld.msk [tilespmem:$0x10], $0xff;
	_ =	sdelay $0x4  }
0x59: {  	v5 =	vshll.u32 v4, $0x4  }
0x5a: {  	v4 =	vand.u32 $0x7, v4;
	v5 =	vand.u32 $0xFFFFFF80, v5  }
0x5b: {  	v4 =	vor.u32 v4, v5  }
0x5c: {  	v4 =	vperm.xlane v4, v2;
	_ =	sdelay $0x1  }
0x5d: {  	v4 =	vadd.s32 v3, v4;
	_ =	sdelay $0x3  }
0x5e: {  	s15 =	simm.s32 $0x8800  }
0x5f: {  	[tilespmem:s15], [sflag:$0x3] =	stream.indirect_vreg.gather [hbm4b:s24+s9], $0x80, v4, vm0, $0xb8;
	[tilespmem:$0x18800] =	vst v63  }
0x60: {  	s16 =	simm.s32 $0x9000  }
0x61: {  	[tilespmem:s16], [sflag:$0x3] =	stream.indirect_vreg.gather [hbm4b:s25+s9], $0x80, v4, vm0, $0xb8;
	[tilespmem:$0x18800] =	vst v63  }
0x62: {  	s17 =	simm.s32 $0x9800  }
0x63: {  	[tilespmem:s17], [sflag:$0x3] =	stream.indirect_vreg.gather [hbm4b:s26+s9], $0x80, v4, vm0, $0xb8;
	[tilespmem:$0x18800] =	vst v63  }
0x64: {  	s18 =	simm.s32 $0xA000  }
0x65: {  	[tilespmem:s18], [sflag:$0x3] =	stream.indirect_vreg.gather [hbm4b:s28+s9], $0x80, v4, vm0, $0xb8;
	[tilespmem:$0x18800] =	vst v63  }
0x66: {  	s19 =	simm.s32 $0xA800  }
0x67: {  	[tilespmem:s19], [sflag:$0x3] =	stream.indirect_vreg.gather [hbm4b:s4+s9], $0x80, v4, vm0, $0xb8;
	[tilespmem:$0x18800] =	vst v63  }
0x68: {  	s20 =	simm.s32 $0xB000  }
0x69: {  	[tilespmem:s20], [sflag:$0x3] =	stream.indirect_vreg.gather [hbm4b:s5+s9], $0x80, v4, vm0, $0xb8;
	[tilespmem:$0x18800] =	vst v63  }
0x6a: {  	s21 =	simm.s32 $0xB800  }
0x6b: {  	[tilespmem:s21], [sflag:$0x3] =	stream.indirect_vreg.gather [hbm4b:s6+s9], $0x80, v4, vm0, $0xb8;
	[tilespmem:$0x18800] =	vst v63  }
0x6c: {  	s22 =	simm.s32 $0xC000  }
0x6d: {  	[tilespmem:s22], [sflag:$0x3] =	stream.indirect_vreg.gather [hbm4b:s7+s9], $0x80, v4, vm0, $0xb8;
	[tilespmem:$0x18800] =	vst v63  }
0x6e: {  	v4 =	vld.msk [tilespmem:$0x18], $0xff;
	_ =	sdelay $0x4  }
0x6f: {  	v5 =	vshll.u32 v4, $0x4  }
0x70: {  	v4 =	vand.u32 $0x7, v4;
	v5 =	vand.u32 $0xFFFFFF80, v5  }
0x71: {  	v4 =	vor.u32 v4, v5  }
0x72: {  	v4 =	vperm.xlane v4, v2;
	_ =	sdelay $0x1  }
0x73: {  	v4 =	vadd.s32 v3, v4;
	_ =	sdelay $0x3  }
0x74: {  	s23 =	simm.s32 $0xC800  }
0x75: {  	[tilespmem:s23], [sflag:$0x4] =	stream.indirect_vreg.gather [hbm4b:s24+s9], $0x80, v4, vm0, $0xb8;
	[tilespmem:$0x18800] =	vst v63  }
0x76: {  	s24 =	simm.s32 $0xD000  }
0x77: {  	[tilespmem:s24], [sflag:$0x4] =	stream.indirect_vreg.gather [hbm4b:s25+s9], $0x80, v4, vm0, $0xb8;
	[tilespmem:$0x18800] =	vst v63  }
0x78: {  	s25 =	simm.s32 $0xD800  }
0x79: {  	[tilespmem:s25], [sflag:$0x4] =	stream.indirect_vreg.gather [hbm4b:s26+s9], $0x80, v4, vm0, $0xb8;
	[tilespmem:$0x18800] =	vst v63  }
0x7a: {  	s26 =	simm.s32 $0xE000  }
0x7b: {  	[tilespmem:s26], [sflag:$0x4] =	stream.indirect_vreg.gather [hbm4b:s28+s9], $0x80, v4, vm0, $0xb8;
	[tilespmem:$0x18800] =	vst v63  }
0x7c: {  	s28 =	simm.s32 $0xE800  }
0x7d: {  	[tilespmem:s28], [sflag:$0x4] =	stream.indirect_vreg.gather [hbm4b:s4+s9], $0x80, v4, vm0, $0xb8;
	[tilespmem:$0x18800] =	vst v63  }
0x7e: {  	s29 =	simm.s32 $0xF000  }
0x7f: {  	[tilespmem:s29], [sflag:$0x4] =	stream.indirect_vreg.gather [hbm4b:s5+s9], $0x80, v4, vm0, $0xb8;
	[tilespmem:$0x18800] =	vst v63  }
0x80: {  	s30 =	simm.s32 $0xF800  }
0x81: {  	[tilespmem:s30], [sflag:$0x4] =	stream.indirect_vreg.gather [hbm4b:s6+s9], $0x80, v4, vm0, $0xb8;
	[tilespmem:$0x18800] =	vst v63  }
0x82: {  	s31 =	simm.s32 $0x10000;
	s19 =	simm.s32 $0x0  }
0x83: {  	[tilespmem:s31], [sflag:$0x4] =	stream.indirect_vreg.gather [hbm4b:s7+s9], $0x80, v4, vm0, $0xb8;
	[tilespmem:$0x18800] =	vst v63  }
.LBB2_4:
0x84: {  	s0 =	sand.u32 $0xF, s19;
	p0 =	seq.s32 s19, $0x0  }
0x85: {  	p1 =	sne.s32 @!p0 s0, $0x0  }
0x86: {  	p0 =	por p1, p0  }
0x87: {  	[dreg:$0xf] =	wrdreg s0;
	s0 =	simm.s32 @!p0 $0x5  }
0x88: {  	_ =	swait.ge @!p0 [sflag:s0], $0x8000  }
0x89: {  	[sflag:s0] =	ssyncset.done @!p0 $0x0  }
0x8a: {  	s24 =	simm.s32 $0x1;
	s1 =	simm.s32 $0x0;
	[sflag:s0] =	ssyncadd.s32 @!p0 $0xFFFF8000  }
0x8b: {  	s3 =	sand.u32 $0x40, s1;
	s12 =	sand.u32 $0x3C00, s1;
	_ =	swait.ge [sflag:s24], $0x4000  }
0x8c: {  	s1 =	sadd.s32 $0x800, s12;
	s2 =	sor.u32 $0x30, s3;
	[sflag:s24] =	ssyncset.done $0x0  }
0x8d: {  	s5 =	sor.u32 s2, s1;
	[sflag:s24] =	ssyncadd.s32 $0xFFFFC000  }
0x8e: {  	v4 =	vld [tilespmem:s5+$0x0]  }
0x8f: {  	s6 =	sor.u32 s3, s1;
	v5 =	vld [tilespmem:s5+$0x80]  }
0x90: {  	v6 =	vld [tilespmem:s6+$0x0]  }
0x91: {  	v7 =	vld [tilespmem:s5+$0x100]  }
0x92: {  	s25 =	sor.u32 $0x10, s3;
	v8 =	vld [tilespmem:s6+$0x80]  }
0x93: {  	s7 =	sor.u32 s25, s1;
	v9 =	vld [tilespmem:s5+$0x180]  }
0x94: {  	s30 =	sor.u32 $0x20, s3;
	p0 =	por $0x0, $0x0;
	s0 =	simm.s32 $0x1;
	v10 =	vld [tilespmem:s7+$0x0]  }
0x95: {  	s1 =	sor.u32 s30, s1;
	s0 =	simm.s32 @!p0 $0x0;
	v12 =	vld [tilespmem:s7+$0x80]  }
0x96: {  	s4 =	sshll.u32 s0, $0x6;
	v14 =	vld [tilespmem:s1+$0x0]  }
0x97: {  	s4 =	sadd.s32 $0x0, s4;
	v16 =	vld [tilespmem:s1+$0x80]  }
0x98: {  	s26 =	sadd.s32 $0x30, s4;
	v18 =	vld [tilespmem:s1+$0x100]  }
0x99: {  	v19 =	vld [tilespmem:s7+$0x180];
	s8 =	sor.u32 $0x200, s26  }
0x9a: {  	s9 =	sor.u32 $0x280, s26;
	v11 =	vld [tilespmem:s8+$0x800]  }
0x9b: {  	s5 =	sor.u32 $0x380, s26;
	v13 =	vld [tilespmem:s9+$0x800]  }
0x9c: {  	s31 =	sor.u32 $0x300, s26;
	v17 =	vld [tilespmem:s5+$0x800];
	s5 =	sadd.s32 $0x10, s4;
	v4 =	vadd.f32 v5, v4  }
0x9d: {  	v15 =	vld [tilespmem:s31+$0x800];
	s10 =	sor.u32 $0x200, s5  }
0x9e: {  	v59 =	vld [tilespmem:s10+$0x800];
	v4 =	vadd.f32 v7, v4  }
0x9f: {  	v7 =	vld [tilespmem:s7+$0x100]  }
0xa0: {  	v5 =	vld [tilespmem:s6+$0x100];
	v4 =	vadd.f32 v9, v4  }
0xa1: {  	v9 =	vld [tilespmem:s6+$0x180]  }
0xa2: {  	s16 =	sor.u32 $0x280, s5;
	v10 =	vadd.f32 v12, v10;
	s6 =	sadd.s32 $0x20, s4;
	v4 =	vadd.f32 v11, v4;
	v11 =	vld [tilespmem:s1+$0x180]  }
0xa3: {  	s11 =	sshll.u32 s19, $0xB;
	s22 =	sshll.u32 s19, $0x7;
	v62 =	vld [tilespmem:s16+$0x800];
	v60 =	vadd.f32 v16, v14;
	v6 =	vadd.f32 v8, v6;
	s13 =	sor.u32 $0x200, s6  }
0xa4: {  	s14 =	sand.u32 $0x380, s22;
	s15 =	sor.u32 $0x200, s4;
	s1 =	sand.u32 $0x4000, s11;
	v61 =	vld [tilespmem:s13+$0x800];
	v7 =	vadd.f32 v7, v10;
	v4 =	vadd.f32 v13, v4  }
0xa5: {  	s23 =	simm.s32 $0x0;
	v8 =	vld [tilespmem:s15+$0x800];
	s17 =	sor.u32 $0x280, s6;
	v6 =	vadd.f32 v5, v6;
	s1 =	sor.u32 s14, s1;
	v13 =	vadd.f32 v18, v60  }
0xa6: {  	s18 =	sor.u32 $0x280, s4;
	s31 =	sor.u32 $0x300, s4;
	v5 =	vld [tilespmem:s17+$0x800];
	s21 =	sor.u32 $0x10800, s1;
	v7 =	vadd.f32 v19, v7;
	v10 =	vadd.f32 v15, v4  }
0xa7: {  	s20 =	sor.u32 $0x300, s5;
	s16 =	sor.u32 $0x380, s4;
	s24 =	sadd.s32 s12, s21;
	v63 =	vadd.f32 v9, v6;
	v4 =	vld [tilespmem:s18+$0x800];
	v11 =	vadd.f32 v11, v13  }
0xa8: {  	v6 =	vld [tilespmem:s20+$0x800];
	s12 =	sor.u32 $0x380, s6;
	s29 =	sadd.s32 s30, s24;
	s30 =	sor.u32 $0x300, s6;
	v12 =	vadd.f32 v59, v7;
	v10 =	vadd.f32 v17, v10  }
0xa9: {  	s26 =	sadd.s32 s3, s24;
	s28 =	sadd.s32 s25, s24;
	s25 =	sadd.s32 s2, s24;
	v7 =	vld [tilespmem:s30+$0x800];
	v9 =	vadd.f32 v61, v11  }
0xaa: {  	s3 =	sor.u32 $0x380, s5;
	s24 =	simm.s32 $0x200;
	v11 =	vadd.f32 v8, v63;
	v8 =	vld [tilespmem:s31+$0x800];
	[tilespmem:s25+$0x0] =	vst v10;
	v10 =	vadd.f32 v62, v12;
	s25 =	simm.s32 $0x40  }
.LBB2_5:
0xab: {  	s4 =	sand.u32 $0x40, s25;
	s14 =	sand.u32 $0x3C00, s24;
	v12 =	vld [tilespmem:s3+$0x800];
	v5 =	vadd.f32 v5, v9  }
0xac: {  	s23 =	sadd.s32 $0x4, s23;
	s0 =	sadd.s32 $0x800, s14;
	s13 =	sor.u32 $0x30, s4;
	v4 =	vadd.f32 v4, v11;
	v9 =	vld [tilespmem:s12+$0x800]  }
0xad: {  	s17 =	sor.u32 $0x10, s4;
	p1 =	slt.u32 s23, $0x7C;
	s1 =	sor.u32 s13, s0;
	v11 =	vld [tilespmem:s16+$0x800];
	v6 =	vadd.f32 v6, v10  }
0xae: {  	s15 =	sor.u32 $0x20, s4;
	s2 =	sor.u32 s4, s0;
	s31 =	sor.u32 s17, s0;
	v10 =	vld [tilespmem:s1+$0x0];
	v5 =	vadd.f32 v7, v5  }
0xaf: {  	p0 =	por !p0, !p0;
	s30 =	sor.u32 s15, s0;
	s0 =	simm.s32 $0x1;
	v7 =	vld [tilespmem:s1+$0x80];
	v4 =	vadd.f32 v8, v4  }
0xb0: {  	s0 =	simm.s32 @!p0 $0x0;
	v8 =	vld [tilespmem:s2+$0x0];
	v6 =	vadd.f32 v12, v6  }
0xb1: {  	s0 =	sshll.u32 s0, $0x6;
	v12 =	vld [tilespmem:s1+$0x100];
	v5 =	vadd.f32 v9, v5  }
0xb2: {  	s12 =	sadd.s32 s0, s24;
	v9 =	vld [tilespmem:s2+$0x80];
	v4 =	vadd.f32 v11, v4;
	[tilespmem:s28+$0x0] =	vst v6  }
0xb3: {  	s3 =	sadd.s32 $0x10, s12;
	s18 =	sadd.s32 $0x20, s12;
	s20 =	sadd.s32 $0x30, s12;
	v6 =	vld [tilespmem:s1+$0x180];
	[tilespmem:s29+$0x0] =	vst v5  }
0xb4: {  	s8 =	sor.u32 $0x200, s18;
	s0 =	sor.u32 $0x200, s20;
	s29 =	sor.u32 $0x200, s3;
	v5 =	vld [tilespmem:s31+$0x0];
	v7 =	vadd.f32 v7, v10;
	[tilespmem:s26+$0x0] =	vst v4  }
0xb5: {  	s10 =	sor.u32 $0x200, s12;
	s7 =	sor.u32 $0x280, s3;
	s5 =	sor.u32 $0x280, s18;
	v4 =	vld [tilespmem:s0+$0x800]  }
0xb6: {  	s6 =	sor.u32 $0x280, s12;
	s16 =	sor.u32 $0x280, s20;
	s1 =	sor.u32 $0x300, s3;
	v10 =	vld [tilespmem:s31+$0x80];
	v7 =	vadd.f32 v12, v7  }
0xb7: {  	s9 =	sor.u32 $0x300, s18;
	s3 =	sor.u32 $0x380, s3;
	s0 =	sor.u32 $0x300, s12;
	v8 =	vadd.f32 v9, v8;
	v9 =	vld [tilespmem:s16+$0x800]  }
0xb8: {  	s16 =	sor.u32 $0x380, s12;
	s12 =	sor.u32 $0x380, s18;
	s18 =	sor.u32 $0x300, s20;
	v11 =	vld [tilespmem:s30+$0x0];
	v6 =	vadd.f32 v6, v7  }
0xb9: {  	v7 =	vld [tilespmem:s18+$0x800]  }
0xba: {  	s18 =	sor.u32 $0x380, s20;
	v12 =	vld [tilespmem:s30+$0x80];
	v4 =	vadd.f32 v4, v6  }
0xbb: {  	v5 =	vadd.f32 v10, v5;
	v6 =	vld [tilespmem:s18+$0x800]  }
0xbc: {  	v10 =	vld [tilespmem:s2+$0x100];
	v4 =	vadd.f32 v9, v4  }
0xbd: {  	v9 =	vld [tilespmem:s31+$0x100]  }
0xbe: {  	v13 =	vld [tilespmem:s30+$0x100];
	v4 =	vadd.f32 v7, v4  }
0xbf: {  	v7 =	vld [tilespmem:s2+$0x180];
	v11 =	vadd.f32 v12, v11  }
0xc0: {  	s2 =	sadd.s32 s14, s21;
	v12 =	vld [tilespmem:s31+$0x180];
	v4 =	vadd.f32 v6, v4  }
0xc1: {  	s26 =	sadd.s32 s4, s2;
	s28 =	sadd.s32 s17, s2;
	s4 =	sadd.s32 s13, s2;
	v6 =	vadd.f32 v10, v8;
	v8 =	vld [tilespmem:s30+$0x180]  }
0xc2: {  	v5 =	vadd.f32 v9, v5;
	v9 =	vld [tilespmem:s29+$0x800];
	s29 =	sadd.s32 s15, s2;
	[tilespmem:s4+$0x0] =	vst v4  }
0xc3: {  	v4 =	vadd.f32 v13, v11;
	v10 =	vld [tilespmem:s8+$0x800]  }
0xc4: {  	v7 =	vadd.f32 v7, v6;
	v11 =	vld [tilespmem:s10+$0x800]  }
0xc5: {  	v6 =	vadd.f32 v12, v5;
	v12 =	vld [tilespmem:s7+$0x800]  }
.Ltmp1:
0xc6: {  	v8 =	vadd.f32 v8, v4;
	v5 =	vld [tilespmem:s5+$0x800];
	(pc) =	sbr.rel @p1 .LBB2_5-.Ltmp1, $4  }
0xc7: {  	v4 =	vld [tilespmem:s6+$0x800];
	v13 =	vadd.f32 v9, v6  }
0xc8: {  	v6 =	vld [tilespmem:s1+$0x800];
	v9 =	vadd.f32 v10, v8  }
0xc9: {  	v11 =	vadd.f32 v11, v7;
	v7 =	vld [tilespmem:s9+$0x800]  }
0xca: {  	s25 =	sadd.s32 $0x40, s25;
	s24 =	sadd.s32 $0x200, s24;
	v8 =	vld [tilespmem:s0+$0x800];
	v10 =	vadd.f32 v12, v13  }
0xcb: {  	v12 =	vld [tilespmem:s3+$0x800]  }
0xcc: {  	v13 =	vld [tilespmem:s12+$0x800]  }
0xcd: {  	v5 =	vadd.f32 v5, v9;
	v9 =	vld [tilespmem:s16+$0x800]  }
0xce: {  	v4 =	vadd.f32 v4, v11;
	v6 =	vadd.f32 v6, v10  }
0xcf: {  	v5 =	vadd.f32 v7, v5  }
0xd0: {  	v4 =	vadd.f32 v8, v4;
	v6 =	vadd.f32 v12, v6  }
0xd1: {  	v5 =	vadd.f32 v13, v5  }
0xd2: {  	v4 =	vadd.f32 v9, v4;
	[tilespmem:s28+$0x0] =	vst v6  }
0xd3: {  	p0 =	seq.s32 s19, $0x3F;
	[tilespmem:s29+$0x0] =	vst v5  }
0xd4: {  	s0 =	sshrl.u32 @!p0 s22, $0x2;
	[tilespmem:s26+$0x0] =	vst v4  }
0xd5: {  	v4 =	vld.msk @!p0 [tilespmem:s0+$0x20], $0xff;
	_ =	sdelay $0x4  }
0xd6: {  	v5 =	vshll.u32 @!p0 v4, $0x4  }
0xd7: {  	v6 =	vlaneseq.u32 @!p0;
	v4 =	vand.u32 @!p0 $0x7, v4;
	v5 =	vand.u32 @!p0 $0xFFFFFF80, v5  }
0xd8: {  	v4 =	vor.u32 @!p0 v4, v5;
	v5 =	vand.u32 @!p0 $0x7, v6;
	v6 =	vshrl.u32 @!p0 v6, $0x3  }
0xd9: {  	v4 =	vperm.xlane @!p0 v4, v5;
	v5 =	vmul.u32 @!p0 $0x8, v6;
	_ =	sdelay $0x1  }
0xda: {  	v4 =	vadd.s32 @!p0 v5, v4;
	_ =	sdelay $0x2  }
0xdb: {  	s2 =	rddreg [dreg:$0x0]  }
0xdc: {  	vm1 =	vmmov @!p0 $0xffff;
	s1 =	simm.s32 @!p0 $0x800;
	[dreg:$0x10] =	wrdreg s0;
	s0 =	simm.s32 @!p0 $0x0  }
0xdd: {  	[tilespmem:s1], [sflag:$0x1] =	stream.indirect_vreg.gather @!p0 [hbm4b:s2+s0], $0x80, v4, vm1, $0xb8;
	[tilespmem:$0x18800] =	vst v63  }
0xde: {  	s1 =	simm.s32 @!p0 $0x1000;
	s2 =	rddreg [dreg:$0x5]  }
0xdf: {  	[tilespmem:s1], [sflag:$0x1] =	stream.indirect_vreg.gather @!p0 [hbm4b:s2+s0], $0x80, v4, vm1, $0xb8;
	[tilespmem:$0x18800] =	vst v63  }
0xe0: {  	s1 =	simm.s32 @!p0 $0x1800;
	s2 =	rddreg [dreg:$0x6]  }
0xe1: {  	[tilespmem:s1], [sflag:$0x1] =	stream.indirect_vreg.gather @!p0 [hbm4b:s2+s0], $0x80, v4, vm1, $0xb8;
	[tilespmem:$0x18800] =	vst v63  }
0xe2: {  	s1 =	simm.s32 @!p0 $0x2000;
	s2 =	rddreg [dreg:$0x7]  }
0xe3: {  	[tilespmem:s1], [sflag:$0x1] =	stream.indirect_vreg.gather @!p0 [hbm4b:s2+s0], $0x80, v4, vm1, $0xb8;
	[tilespmem:$0x18800] =	vst v63  }
0xe4: {  	s1 =	simm.s32 @!p0 $0x2800;
	s2 =	rddreg [dreg:$0x8]  }
0xe5: {  	[tilespmem:s1], [sflag:$0x1] =	stream.indirect_vreg.gather @!p0 [hbm4b:s2+s0], $0x80, v4, vm1, $0xb8;
	[tilespmem:$0x18800] =	vst v63  }
0xe6: {  	s1 =	simm.s32 @!p0 $0x3000;
	s2 =	rddreg [dreg:$0x9]  }
0xe7: {  	[tilespmem:s1], [sflag:$0x1] =	stream.indirect_vreg.gather @!p0 [hbm4b:s2+s0], $0x80, v4, vm1, $0xb8;
	[tilespmem:$0x18800] =	vst v63  }
0xe8: {  	s24 =	simm.s32 $0x0;
	s1 =	simm.s32 @!p0 $0x3800;
	s2 =	rddreg [dreg:$0xa]  }
0xe9: {  	[tilespmem:s1], [sflag:$0x1] =	stream.indirect_vreg.gather @!p0 [hbm4b:s2+s0], $0x80, v4, vm1, $0xb8;
	[tilespmem:$0x18800] =	vst v63  }
0xea: {  	s25 =	simm.s32 $0x2;
	s1 =	simm.s32 @!p0 $0x4000;
	s2 =	rddreg [dreg:$0xb]  }
0xeb: {  	[tilespmem:s1], [sflag:$0x1] =	stream.indirect_vreg.gather @!p0 [hbm4b:s2+s0], $0x80, v4, vm1, $0xb8;
	[tilespmem:$0x18800] =	vst v63  }
0xec: {  	s4 =	sand.u32 $0x40, s24;
	s26 =	sand.u32 $0x3C00, s24;
	_ =	swait.ge [sflag:s25], $0x4000  }
0xed: {  	s5 =	sor.u32 $0x30, s4;
	s30 =	sadd.s32 $0x4800, s26;
	[sflag:s25] =	ssyncset.done $0x0  }
0xee: {  	s31 =	sor.u32 s5, s30;
	[sflag:s25] =	ssyncadd.s32 $0xFFFFC000  }
0xef: {  	v4 =	vld [tilespmem:s31+$0x0]  }
0xf0: {  	s6 =	sor.u32 s4, s30;
	v5 =	vld [tilespmem:s31+$0x80]  }
0xf1: {  	v6 =	vld [tilespmem:s6+$0x0]  }
0xf2: {  	v7 =	vld [tilespmem:s31+$0x100]  }
0xf3: {  	s10 =	sor.u32 $0x10, s4;
	v8 =	vld [tilespmem:s6+$0x80]  }
0xf4: {  	s11 =	sor.u32 s10, s30;
	v9 =	vld [tilespmem:s31+$0x180]  }
0xf5: {  	s12 =	sor.u32 $0x20, s4;
	v14 =	vld [tilespmem:s11+$0x0]  }
0xf6: {  	s3 =	sor.u32 s12, s30;
	v15 =	vld [tilespmem:s11+$0x80]  }
0xf7: {  	v16 =	vld [tilespmem:s3+$0x0]  }
0xf8: {  	p1 =	por $0x0, $0x0;
	s2 =	simm.s32 $0x1;
	v17 =	vld [tilespmem:s3+$0x80]  }
0xf9: {  	s2 =	simm.s32 @!p1 $0x0;
	v18 =	vld [tilespmem:s6+$0x100]  }
0xfa: {  	s2 =	sshll.u32 s2, $0x6;
	v19 =	vld [tilespmem:s3+$0x100]  }
0xfb: {  	s2 =	sadd.s32 $0x0, s2;
	v20 =	vld [tilespmem:s11+$0x180]  }
0xfc: {  	v21 =	vld [tilespmem:s3+$0x180];
	s17 =	sor.u32 $0x200, s2  }
0xfd: {  	s7 =	sadd.s32 $0x30, s2;
	s22 =	sor.u32 $0x280, s2;
	v59 =	vld [tilespmem:s17+$0x4800]  }
0xfe: {  	s8 =	sor.u32 $0x200, s7;
	v62 =	vld [tilespmem:s22+$0x4800];
	v4 =	vadd.f32 v5, v4  }
0xff: {  	v10 =	vld [tilespmem:s8+$0x4800]  }
0x100: {  	s13 =	sadd.s32 $0x10, s2;
	s9 =	sor.u32 $0x280, s7;
	v5 =	vld [tilespmem:s11+$0x100];
	v4 =	vadd.f32 v7, v4  }
0x101: {  	s18 =	sor.u32 $0x280, s13;
	v11 =	vld [tilespmem:s9+$0x4800]  }
0x102: {  	s8 =	sor.u32 $0x300, s7;
	v60 =	vld [tilespmem:s18+$0x4800];
	v4 =	vadd.f32 v9, v4  }
0x103: {  	s7 =	sor.u32 $0x380, s7;
	v57 =	vld [tilespmem:s8+$0x4800];
	v14 =	vadd.f32 v15, v14  }
0x104: {  	s15 =	sor.u32 $0x200, s13;
	v58 =	vld [tilespmem:s7+$0x4800];
	v4 =	vadd.f32 v10, v4  }
0x105: {  	s14 =	sadd.s32 $0x20, s2;
	v9 =	vld [tilespmem:s15+$0x4800];
	v5 =	vadd.f32 v5, v14  }
0x106: {  	s1 =	sadd.s32 s26, s21;
	s16 =	sor.u32 $0x200, s14;
	v7 =	vld [tilespmem:s6+$0x180];
	v4 =	vadd.f32 v11, v4;
	v11 =	vadd.f32 v17, v16  }
0x107: {  	s5 =	sadd.s32 s5, s1;
	v6 =	vadd.f32 v8, v6;
	v10 =	vld [tilespmem:s16+$0x4800]  }
0x108: {  	s20 =	sor.u32 $0x280, s14;
	v8 =	vld [tilespmem:s5+$0x0];
	v14 =	vadd.f32 v20, v5;
	v11 =	vadd.f32 v19, v11  }
0x109: {  	s23 =	sor.u32 $0x300, s13;
	v61 =	vld [tilespmem:s20+$0x4800];
	v6 =	vadd.f32 v18, v6;
	v4 =	vadd.f32 v57, v4  }
0x10a: {  	s24 =	sor.u32 $0x300, s14;
	v63 =	vld [tilespmem:s23+$0x4800];
	v9 =	vadd.f32 v9, v14;
	v11 =	vadd.f32 v21, v11  }
0x10b: {  	s25 =	sor.u32 $0x300, s2;
	v7 =	vadd.f32 v7, v6;
	v5 =	vld [tilespmem:s24+$0x4800];
	v4 =	vadd.f32 v58, v4  }
0x10c: {  	s26 =	sor.u32 $0x380, s13;
	v6 =	vld [tilespmem:s25+$0x4800];
	v9 =	vadd.f32 v60, v9;
	v10 =	vadd.f32 v10, v11  }
0x10d: {  	s29 =	sadd.s32 s4, s1;
	s30 =	sor.u32 $0x380, s14;
	v8 =	vadd.f32 v8, v4;
	v4 =	vld [tilespmem:s26+$0x4800];
	v11 =	vadd.f32 v59, v7  }
0x10e: {  	s28 =	sadd.s32 s10, s1;
	s31 =	sor.u32 $0x380, s2;
	s23 =	simm.s32 $0x0;
	v7 =	vld [tilespmem:s30+$0x4800];
	v10 =	vadd.f32 v61, v10  }
0x10f: {  	s24 =	simm.s32 $0x200;
	s25 =	simm.s32 $0x40;
	v9 =	vadd.f32 v63, v9;
	s26 =	sadd.s32 s12, s1;
	[tilespmem:s5+$0x0] =	vst v8;
	v11 =	vadd.f32 v62, v11;
	v8 =	vld [tilespmem:s31+$0x4800]  }
.LBB2_7:
0x110: {  	s4 =	sand.u32 $0x40, s25;
	s3 =	sand.u32 $0x3C00, s24;
	v12 =	vld [tilespmem:s29+$0x0];
	v5 =	vadd.f32 v5, v10  }
0x111: {  	s23 =	sadd.s32 $0x4, s23;
	s0 =	sadd.s32 $0x4800, s3;
	s16 =	sor.u32 $0x30, s4;
	v6 =	vadd.f32 v6, v11;
	v10 =	vld [tilespmem:s28+$0x0]  }
0x112: {  	s12 =	sor.u32 $0x10, s4;
	p2 =	slt.u32 s23, $0x7C;
	s1 =	sor.u32 s16, s0;
	v4 =	vadd.f32 v4, v9;
	v9 =	vld [tilespmem:s26+$0x0]  }
0x113: {  	s2 =	sor.u32 $0x20, s4;
	s14 =	sor.u32 s4, s0;
	s13 =	sor.u32 s12, s0;
	v11 =	vld [tilespmem:s1+$0x0];
	v5 =	vadd.f32 v7, v5  }
0x114: {  	p1 =	por !p1, !p1;
	s15 =	sor.u32 s2, s0;
	s0 =	simm.s32 $0x1;
	v7 =	vld [tilespmem:s1+$0x80];
	v6 =	vadd.f32 v8, v6  }
0x115: {  	s0 =	simm.s32 @!p1 $0x0;
	v8 =	vld [tilespmem:s14+$0x0]  }
0x116: {  	s0 =	sshll.u32 s0, $0x6;
	v13 =	vld [tilespmem:s1+$0x100];
	v6 =	vadd.f32 v12, v6;
	v4 =	vadd.f32 v10, v4  }
0x117: {  	s10 =	sadd.s32 s0, s24;
	v10 =	vld [tilespmem:s14+$0x80];
	v5 =	vadd.f32 v9, v5  }
0x118: {  	s8 =	sadd.s32 $0x10, s10;
	s18 =	sadd.s32 $0x20, s10;
	s11 =	sadd.s32 $0x30, s10;
	v9 =	vld [tilespmem:s1+$0x180];
	[tilespmem:s29+$0x0] =	vst v6  }
0x119: {  	s9 =	sor.u32 $0x200, s8;
	s6 =	sor.u32 $0x200, s18;
	s1 =	sor.u32 $0x200, s11;
	v6 =	vld [tilespmem:s13+$0x0];
	v7 =	vadd.f32 v7, v11;
	[tilespmem:s28+$0x0] =	vst v4  }
0x11a: {  	s7 =	sor.u32 $0x200, s10;
	s5 =	sor.u32 $0x280, s8;
	s0 =	sor.u32 $0x280, s18;
	v4 =	vld [tilespmem:s1+$0x4800];
	[tilespmem:s26+$0x0] =	vst v5  }
0x11b: {  	s20 =	sor.u32 $0x280, s10;
	s17 =	sor.u32 $0x280, s11;
	s1 =	sor.u32 $0x300, s8;
	v5 =	vld [tilespmem:s13+$0x80];
	v7 =	vadd.f32 v13, v7  }
0x11c: {  	s31 =	sor.u32 $0x300, s10;
	s30 =	sor.u32 $0x380, s8;
	s8 =	sor.u32 $0x300, s18;
	v8 =	vadd.f32 v10, v8;
	v10 =	vld [tilespmem:s17+$0x4800]  }
0x11d: {  	s18 =	sor.u32 $0x380, s18;
	s17 =	sor.u32 $0x380, s10;
	s10 =	sor.u32 $0x300, s11;
	v11 =	vld [tilespmem:s15+$0x0];
	v7 =	vadd.f32 v9, v7  }
0x11e: {  	v9 =	vld [tilespmem:s10+$0x4800]  }
0x11f: {  	s10 =	sor.u32 $0x380, s11;
	v12 =	vld [tilespmem:s15+$0x80];
	v4 =	vadd.f32 v4, v7  }
0x120: {  	s3 =	sadd.s32 s3, s21;
	v5 =	vadd.f32 v5, v6;
	v6 =	vld [tilespmem:s10+$0x4800]  }
0x121: {  	s29 =	sadd.s32 s4, s3;
	s4 =	sadd.s32 s16, s3;
	s28 =	sadd.s32 s12, s3;
	v7 =	vld [tilespmem:s14+$0x100];
	v4 =	vadd.f32 v10, v4  }
0x122: {  	s26 =	sadd.s32 s2, s3;
	v10 =	vld [tilespmem:s4+$0x0]  }
0x123: {  	v13 =	vld [tilespmem:s13+$0x100];
	v4 =	vadd.f32 v9, v4  }
0x124: {  	v9 =	vadd.f32 v12, v11;
	v11 =	vld [tilespmem:s15+$0x100]  }
0x125: {  	v12 =	vld [tilespmem:s14+$0x180];
	v4 =	vadd.f32 v6, v4  }
0x126: {  	v6 =	vadd.f32 v7, v8;
	v7 =	vld [tilespmem:s13+$0x180]  }
0x127: {  	v8 =	vld [tilespmem:s15+$0x180];
	v4 =	vadd.f32 v10, v4  }
0x128: {  	v5 =	vadd.f32 v13, v5;
	v10 =	vld [tilespmem:s9+$0x4800]  }
0x129: {  	v9 =	vadd.f32 v11, v9;
	v11 =	vld [tilespmem:s6+$0x4800];
	[tilespmem:s4+$0x0] =	vst v4  }
0x12a: {  	v4 =	vadd.f32 v12, v6;
	v6 =	vld [tilespmem:s7+$0x4800]  }
0x12b: {  	v5 =	vadd.f32 v7, v5;
	v7 =	vld [tilespmem:s5+$0x4800]  }
0x12c: {  	v8 =	vadd.f32 v8, v9;
	v9 =	vld [tilespmem:s0+$0x4800]  }
0x12d: {  	v12 =	vld [tilespmem:s20+$0x4800];
	v10 =	vadd.f32 v10, v5  }
0x12e: {  	v13 =	vld [tilespmem:s1+$0x4800];
	v8 =	vadd.f32 v11, v8  }
.Ltmp2:
0x12f: {  	v11 =	vadd.f32 v6, v4;
	v5 =	vld [tilespmem:s8+$0x4800];
	(pc) =	sbr.rel @p2 .LBB2_7-.Ltmp2, $4  }
0x130: {  	v6 =	vld [tilespmem:s31+$0x4800];
	v14 =	vadd.f32 v7, v10  }
0x131: {  	v4 =	vld [tilespmem:s30+$0x4800];
	v10 =	vadd.f32 v9, v8  }
0x132: {  	v11 =	vadd.f32 v12, v11;
	v7 =	vld [tilespmem:s18+$0x4800]  }
0x133: {  	s25 =	sadd.s32 $0x40, s25;
	s24 =	sadd.s32 $0x200, s24;
	v8 =	vld [tilespmem:s17+$0x4800];
	v9 =	vadd.f32 v13, v14  }
0x134: {  	v13 =	vld [tilespmem:s26+$0x0]  }
0x135: {  	v12 =	vld [tilespmem:s29+$0x0];
	v5 =	vadd.f32 v5, v10  }
0x136: {  	v6 =	vadd.f32 v6, v11;
	v11 =	vld [tilespmem:s28+$0x0]  }
0x137: {  	v5 =	vadd.f32 v7, v5  }
0x138: {  	v6 =	vadd.f32 v8, v6  }
0x139: {  	v4 =	vadd.f32 v4, v9;
	v5 =	vadd.f32 v13, v5  }
0x13a: {  	v6 =	vadd.f32 v12, v6  }
0x13b: {  	v4 =	vadd.f32 v11, v4;
	[tilespmem:s26+$0x0] =	vst v5  }
0x13c: {  	[tilespmem:s29+$0x0] =	vst v6  }
0x13d: {  	[tilespmem:s28+$0x0] =	vst v4  }
0x13e: {  	s0 =	rddreg [dreg:$0x10]  }
0x13f: {  	v4 =	vld.msk @!p0 [tilespmem:s0+$0x28], $0xff;
	_ =	sdelay $0x4  }
0x140: {  	v5 =	vshll.u32 @!p0 v4, $0x4  }
0x141: {  	v6 =	vlaneseq.u32 @!p0;
	v4 =	vand.u32 @!p0 $0x7, v4;
	v5 =	vand.u32 @!p0 $0xFFFFFF80, v5  }
0x142: {  	v4 =	vor.u32 @!p0 v4, v5;
	v5 =	vand.u32 @!p0 $0x7, v6;
	v6 =	vshrl.u32 @!p0 v6, $0x3  }
0x143: {  	v4 =	vperm.xlane @!p0 v4, v5;
	v5 =	vmul.u32 @!p0 $0x8, v6;
	_ =	sdelay $0x1  }
0x144: {  	v4 =	vadd.s32 @!p0 v5, v4;
	_ =	sdelay $0x3  }
0x145: {  	s1 =	simm.s32 @!p0 $0x4800;
	s2 =	rddreg [dreg:$0x0];
	s0 =	simm.s32 @!p0 $0x0  }
0x146: {  	[tilespmem:s1], [sflag:$0x2] =	stream.indirect_vreg.gather @!p0 [hbm4b:s2+s0], $0x80, v4, vm1, $0xb8;
	[tilespmem:$0x18800] =	vst v63  }
0x147: {  	s1 =	simm.s32 @!p0 $0x5000;
	s2 =	rddreg [dreg:$0x5]  }
0x148: {  	[tilespmem:s1], [sflag:$0x2] =	stream.indirect_vreg.gather @!p0 [hbm4b:s2+s0], $0x80, v4, vm1, $0xb8;
	[tilespmem:$0x18800] =	vst v63  }
0x149: {  	s1 =	simm.s32 @!p0 $0x5800;
	s2 =	rddreg [dreg:$0x6]  }
0x14a: {  	[tilespmem:s1], [sflag:$0x2] =	stream.indirect_vreg.gather @!p0 [hbm4b:s2+s0], $0x80, v4, vm1, $0xb8;
	[tilespmem:$0x18800] =	vst v63  }
0x14b: {  	s1 =	simm.s32 @!p0 $0x6000;
	s2 =	rddreg [dreg:$0x7]  }
0x14c: {  	[tilespmem:s1], [sflag:$0x2] =	stream.indirect_vreg.gather @!p0 [hbm4b:s2+s0], $0x80, v4, vm1, $0xb8;
	[tilespmem:$0x18800] =	vst v63  }
0x14d: {  	s1 =	simm.s32 @!p0 $0x6800;
	s2 =	rddreg [dreg:$0x8]  }
0x14e: {  	[tilespmem:s1], [sflag:$0x2] =	stream.indirect_vreg.gather @!p0 [hbm4b:s2+s0], $0x80, v4, vm1, $0xb8;
	[tilespmem:$0x18800] =	vst v63  }
0x14f: {  	s1 =	simm.s32 @!p0 $0x7000;
	s2 =	rddreg [dreg:$0x9]  }
0x150: {  	[tilespmem:s1], [sflag:$0x2] =	stream.indirect_vreg.gather @!p0 [hbm4b:s2+s0], $0x80, v4, vm1, $0xb8;
	[tilespmem:$0x18800] =	vst v63  }
0x151: {  	s25 =	simm.s32 $0x0;
	s1 =	simm.s32 @!p0 $0x7800;
	s2 =	rddreg [dreg:$0xa]  }
0x152: {  	[tilespmem:s1], [sflag:$0x2] =	stream.indirect_vreg.gather @!p0 [hbm4b:s2+s0], $0x80, v4, vm1, $0xb8;
	[tilespmem:$0x18800] =	vst v63  }
0x153: {  	s26 =	simm.s32 $0x3;
	s1 =	simm.s32 @!p0 $0x8000;
	s2 =	rddreg [dreg:$0xb]  }
0x154: {  	[tilespmem:s1], [sflag:$0x2] =	stream.indirect_vreg.gather @!p0 [hbm4b:s2+s0], $0x80, v4, vm1, $0xb8;
	[tilespmem:$0x18800] =	vst v63  }
0x155: {  	s4 =	sand.u32 $0x40, s25;
	s30 =	sand.u32 $0x3C00, s25;
	_ =	swait.ge [sflag:s26], $0x4000  }
0x156: {  	s3 =	sadd.s32 $0x8800, s30;
	s5 =	sor.u32 $0x30, s4;
	[sflag:s26] =	ssyncset.done $0x0  }
0x157: {  	s31 =	sor.u32 s5, s3;
	[sflag:s26] =	ssyncadd.s32 $0xFFFFC000  }
0x158: {  	v4 =	vld [tilespmem:s31+$0x0]  }
0x159: {  	s6 =	sor.u32 s4, s3;
	v5 =	vld [tilespmem:s31+$0x80]  }
0x15a: {  	v6 =	vld [tilespmem:s6+$0x0]  }
0x15b: {  	v7 =	vld [tilespmem:s31+$0x100]  }
0x15c: {  	s10 =	sor.u32 $0x10, s4;
	v8 =	vld [tilespmem:s6+$0x80]  }
0x15d: {  	s11 =	sor.u32 s10, s3;
	v9 =	vld [tilespmem:s31+$0x180]  }
0x15e: {  	s12 =	sor.u32 $0x20, s4;
	v14 =	vld [tilespmem:s11+$0x0]  }
0x15f: {  	s3 =	sor.u32 s12, s3;
	v15 =	vld [tilespmem:s11+$0x80]  }
0x160: {  	v16 =	vld [tilespmem:s3+$0x0]  }
0x161: {  	p1 =	por $0x0, $0x0;
	s2 =	simm.s32 $0x1;
	v17 =	vld [tilespmem:s3+$0x80]  }
0x162: {  	s2 =	simm.s32 @!p1 $0x0;
	v18 =	vld [tilespmem:s6+$0x100]  }
0x163: {  	s2 =	sshll.u32 s2, $0x6;
	v19 =	vld [tilespmem:s3+$0x100]  }
0x164: {  	s2 =	sadd.s32 $0x0, s2;
	v20 =	vld [tilespmem:s11+$0x180]  }
0x165: {  	v21 =	vld [tilespmem:s3+$0x180];
	s17 =	sor.u32 $0x200, s2  }
0x166: {  	s7 =	sadd.s32 $0x30, s2;
	s22 =	sor.u32 $0x280, s2;
	v59 =	vld [tilespmem:s17+$0x8800]  }
0x167: {  	s8 =	sor.u32 $0x200, s7;
	v62 =	vld [tilespmem:s22+$0x8800];
	v4 =	vadd.f32 v5, v4  }
0x168: {  	v10 =	vld [tilespmem:s8+$0x8800]  }
0x169: {  	s13 =	sadd.s32 $0x10, s2;
	s9 =	sor.u32 $0x280, s7;
	v5 =	vld [tilespmem:s11+$0x100];
	v4 =	vadd.f32 v7, v4  }
0x16a: {  	s18 =	sor.u32 $0x280, s13;
	v11 =	vld [tilespmem:s9+$0x8800]  }
0x16b: {  	s8 =	sor.u32 $0x300, s7;
	v60 =	vld [tilespmem:s18+$0x8800];
	v4 =	vadd.f32 v9, v4  }
0x16c: {  	s7 =	sor.u32 $0x380, s7;
	v57 =	vld [tilespmem:s8+$0x8800];
	v14 =	vadd.f32 v15, v14  }
0x16d: {  	s15 =	sor.u32 $0x200, s13;
	v58 =	vld [tilespmem:s7+$0x8800];
	v4 =	vadd.f32 v10, v4  }
0x16e: {  	s14 =	sadd.s32 $0x20, s2;
	v9 =	vld [tilespmem:s15+$0x8800];
	v5 =	vadd.f32 v5, v14  }
0x16f: {  	s1 =	sadd.s32 s30, s21;
	s16 =	sor.u32 $0x200, s14;
	v7 =	vld [tilespmem:s6+$0x180];
	v4 =	vadd.f32 v11, v4;
	v11 =	vadd.f32 v17, v16  }
0x170: {  	s5 =	sadd.s32 s5, s1;
	v6 =	vadd.f32 v8, v6;
	v10 =	vld [tilespmem:s16+$0x8800]  }
0x171: {  	s20 =	sor.u32 $0x280, s14;
	v8 =	vld [tilespmem:s5+$0x0];
	v14 =	vadd.f32 v20, v5;
	v11 =	vadd.f32 v19, v11  }
0x172: {  	s23 =	sor.u32 $0x300, s13;
	v61 =	vld [tilespmem:s20+$0x8800];
	v6 =	vadd.f32 v18, v6;
	v4 =	vadd.f32 v57, v4  }
0x173: {  	s24 =	sor.u32 $0x300, s14;
	v63 =	vld [tilespmem:s23+$0x8800];
	v9 =	vadd.f32 v9, v14;
	v11 =	vadd.f32 v21, v11  }
0x174: {  	s25 =	sor.u32 $0x300, s2;
	v7 =	vadd.f32 v7, v6;
	v5 =	vld [tilespmem:s24+$0x8800];
	v4 =	vadd.f32 v58, v4  }
0x175: {  	s26 =	sor.u32 $0x380, s13;
	v6 =	vld [tilespmem:s25+$0x8800];
	v9 =	vadd.f32 v60, v9;
	v10 =	vadd.f32 v10, v11  }
0x176: {  	s29 =	sadd.s32 s4, s1;
	s30 =	sor.u32 $0x380, s14;
	v8 =	vadd.f32 v8, v4;
	v4 =	vld [tilespmem:s26+$0x8800];
	v11 =	vadd.f32 v59, v7  }
0x177: {  	s28 =	sadd.s32 s10, s1;
	s31 =	sor.u32 $0x380, s2;
	s23 =	simm.s32 $0x0;
	v7 =	vld [tilespmem:s30+$0x8800];
	v10 =	vadd.f32 v61, v10  }
0x178: {  	s24 =	simm.s32 $0x200;
	s25 =	simm.s32 $0x40;
	v9 =	vadd.f32 v63, v9;
	s26 =	sadd.s32 s12, s1;
	[tilespmem:s5+$0x0] =	vst v8;
	v11 =	vadd.f32 v62, v11;
	v8 =	vld [tilespmem:s31+$0x8800]  }
.LBB2_9:
0x179: {  	s4 =	sand.u32 $0x40, s25;
	s3 =	sand.u32 $0x3C00, s24;
	v12 =	vld [tilespmem:s29+$0x0];
	v5 =	vadd.f32 v5, v10  }
0x17a: {  	s23 =	sadd.s32 $0x4, s23;
	s0 =	sadd.s32 $0x8800, s3;
	s16 =	sor.u32 $0x30, s4;
	v6 =	vadd.f32 v6, v11;
	v10 =	vld [tilespmem:s28+$0x0]  }
0x17b: {  	s12 =	sor.u32 $0x10, s4;
	p2 =	slt.u32 s23, $0x7C;
	s1 =	sor.u32 s16, s0;
	v4 =	vadd.f32 v4, v9;
	v9 =	vld [tilespmem:s26+$0x0]  }
0x17c: {  	s2 =	sor.u32 $0x20, s4;
	s14 =	sor.u32 s4, s0;
	s13 =	sor.u32 s12, s0;
	v11 =	vld [tilespmem:s1+$0x0];
	v5 =	vadd.f32 v7, v5  }
0x17d: {  	p1 =	por !p1, !p1;
	s15 =	sor.u32 s2, s0;
	s0 =	simm.s32 $0x1;
	v7 =	vld [tilespmem:s1+$0x80];
	v6 =	vadd.f32 v8, v6  }
0x17e: {  	s0 =	simm.s32 @!p1 $0x0;
	v8 =	vld [tilespmem:s14+$0x0]  }
0x17f: {  	s0 =	sshll.u32 s0, $0x6;
	v13 =	vld [tilespmem:s1+$0x100];
	v6 =	vadd.f32 v12, v6;
	v4 =	vadd.f32 v10, v4  }
0x180: {  	s10 =	sadd.s32 s0, s24;
	v10 =	vld [tilespmem:s14+$0x80];
	v5 =	vadd.f32 v9, v5  }
0x181: {  	s8 =	sadd.s32 $0x10, s10;
	s11 =	sadd.s32 $0x20, s10;
	s22 =	sadd.s32 $0x30, s10;
	v9 =	vld [tilespmem:s1+$0x180];
	[tilespmem:s29+$0x0] =	vst v6  }
0x182: {  	s9 =	sor.u32 $0x200, s8;
	s6 =	sor.u32 $0x200, s11;
	s0 =	sor.u32 $0x200, s22;
	v6 =	vld [tilespmem:s13+$0x0];
	v7 =	vadd.f32 v7, v11;
	[tilespmem:s28+$0x0] =	vst v4  }
0x183: {  	s7 =	sor.u32 $0x200, s10;
	s20 =	sor.u32 $0x280, s8;
	s18 =	sor.u32 $0x280, s11;
	v4 =	vld [tilespmem:s0+$0x8800];
	[tilespmem:s26+$0x0] =	vst v5  }
0x184: {  	s5 =	sor.u32 $0x280, s10;
	s17 =	sor.u32 $0x280, s22;
	s1 =	sor.u32 $0x300, s8;
	v5 =	vld [tilespmem:s13+$0x80];
	v7 =	vadd.f32 v13, v7  }
0x185: {  	s30 =	sor.u32 $0x380, s8;
	s8 =	sor.u32 $0x300, s11;
	s0 =	sor.u32 $0x300, s10;
	v8 =	vadd.f32 v10, v8;
	v10 =	vld [tilespmem:s17+$0x8800]  }
0x186: {  	s31 =	sor.u32 $0x380, s11;
	s17 =	sor.u32 $0x380, s10;
	s10 =	sor.u32 $0x300, s22;
	v11 =	vld [tilespmem:s15+$0x0];
	v7 =	vadd.f32 v9, v7  }
0x187: {  	v9 =	vld [tilespmem:s10+$0x8800]  }
0x188: {  	s10 =	sor.u32 $0x380, s22;
	v12 =	vld [tilespmem:s15+$0x80];
	v4 =	vadd.f32 v4, v7  }
0x189: {  	s3 =	sadd.s32 s3, s21;
	v5 =	vadd.f32 v5, v6;
	v6 =	vld [tilespmem:s10+$0x8800]  }
0x18a: {  	s29 =	sadd.s32 s4, s3;
	s4 =	sadd.s32 s16, s3;
	s28 =	sadd.s32 s12, s3;
	v7 =	vld [tilespmem:s14+$0x100];
	v4 =	vadd.f32 v10, v4  }
0x18b: {  	s26 =	sadd.s32 s2, s3;
	v10 =	vld [tilespmem:s4+$0x0]  }
0x18c: {  	v13 =	vld [tilespmem:s13+$0x100];
	v4 =	vadd.f32 v9, v4  }
0x18d: {  	v9 =	vadd.f32 v12, v11;
	v11 =	vld [tilespmem:s15+$0x100]  }
0x18e: {  	v12 =	vld [tilespmem:s14+$0x180];
	v4 =	vadd.f32 v6, v4  }
0x18f: {  	v6 =	vadd.f32 v7, v8;
	v7 =	vld [tilespmem:s13+$0x180]  }
0x190: {  	v8 =	vld [tilespmem:s15+$0x180];
	v4 =	vadd.f32 v10, v4  }
0x191: {  	v5 =	vadd.f32 v13, v5;
	v10 =	vld [tilespmem:s9+$0x8800]  }
0x192: {  	v9 =	vadd.f32 v11, v9;
	v11 =	vld [tilespmem:s6+$0x8800];
	[tilespmem:s4+$0x0] =	vst v4  }
0x193: {  	v4 =	vadd.f32 v12, v6;
	v6 =	vld [tilespmem:s7+$0x8800]  }
0x194: {  	v5 =	vadd.f32 v7, v5;
	v7 =	vld [tilespmem:s20+$0x8800]  }
0x195: {  	v8 =	vadd.f32 v8, v9;
	v9 =	vld [tilespmem:s18+$0x8800]  }
0x196: {  	v12 =	vld [tilespmem:s5+$0x8800];
	v10 =	vadd.f32 v10, v5  }
0x197: {  	v13 =	vld [tilespmem:s1+$0x8800];
	v8 =	vadd.f32 v11, v8  }
.Ltmp3:
0x198: {  	v11 =	vadd.f32 v6, v4;
	v5 =	vld [tilespmem:s8+$0x8800];
	(pc) =	sbr.rel @p2 .LBB2_9-.Ltmp3, $4  }
0x199: {  	v6 =	vld [tilespmem:s0+$0x8800];
	v14 =	vadd.f32 v7, v10  }
0x19a: {  	v4 =	vld [tilespmem:s30+$0x8800];
	v10 =	vadd.f32 v9, v8  }
0x19b: {  	v11 =	vadd.f32 v12, v11;
	v7 =	vld [tilespmem:s31+$0x8800]  }
0x19c: {  	s25 =	sadd.s32 $0x40, s25;
	s24 =	sadd.s32 $0x200, s24;
	v8 =	vld [tilespmem:s17+$0x8800];
	v9 =	vadd.f32 v13, v14  }
0x19d: {  	v13 =	vld [tilespmem:s26+$0x0]  }
0x19e: {  	v12 =	vld [tilespmem:s29+$0x0];
	v5 =	vadd.f32 v5, v10  }
0x19f: {  	v6 =	vadd.f32 v6, v11;
	v11 =	vld [tilespmem:s28+$0x0]  }
0x1a0: {  	v5 =	vadd.f32 v7, v5  }
0x1a1: {  	v6 =	vadd.f32 v8, v6  }
0x1a2: {  	v4 =	vadd.f32 v4, v9;
	v5 =	vadd.f32 v13, v5  }
0x1a3: {  	v6 =	vadd.f32 v12, v6  }
0x1a4: {  	v4 =	vadd.f32 v11, v4;
	[tilespmem:s26+$0x0] =	vst v5  }
0x1a5: {  	[tilespmem:s29+$0x0] =	vst v6  }
0x1a6: {  	[tilespmem:s28+$0x0] =	vst v4  }
0x1a7: {  	s0 =	rddreg [dreg:$0x10]  }
0x1a8: {  	v4 =	vld.msk @!p0 [tilespmem:s0+$0x30], $0xff;
	_ =	sdelay $0x4  }
0x1a9: {  	v5 =	vshll.u32 @!p0 v4, $0x4  }
0x1aa: {  	v6 =	vlaneseq.u32 @!p0;
	v4 =	vand.u32 @!p0 $0x7, v4;
	v5 =	vand.u32 @!p0 $0xFFFFFF80, v5  }
0x1ab: {  	v4 =	vor.u32 @!p0 v4, v5;
	v5 =	vand.u32 @!p0 $0x7, v6;
	v6 =	vshrl.u32 @!p0 v6, $0x3  }
0x1ac: {  	v4 =	vperm.xlane @!p0 v4, v5;
	v5 =	vmul.u32 @!p0 $0x8, v6;
	_ =	sdelay $0x1  }
0x1ad: {  	v4 =	vadd.s32 @!p0 v5, v4;
	_ =	sdelay $0x3  }
0x1ae: {  	s1 =	simm.s32 @!p0 $0x8800;
	s2 =	rddreg [dreg:$0x0];
	s0 =	simm.s32 @!p0 $0x0  }
0x1af: {  	[tilespmem:s1], [sflag:$0x3] =	stream.indirect_vreg.gather @!p0 [hbm4b:s2+s0], $0x80, v4, vm1, $0xb8;
	[tilespmem:$0x18800] =	vst v63  }
0x1b0: {  	s1 =	simm.s32 @!p0 $0x9000;
	s2 =	rddreg [dreg:$0x5]  }
0x1b1: {  	[tilespmem:s1], [sflag:$0x3] =	stream.indirect_vreg.gather @!p0 [hbm4b:s2+s0], $0x80, v4, vm1, $0xb8;
	[tilespmem:$0x18800] =	vst v63  }
0x1b2: {  	s1 =	simm.s32 @!p0 $0x9800;
	s2 =	rddreg [dreg:$0x6]  }
0x1b3: {  	[tilespmem:s1], [sflag:$0x3] =	stream.indirect_vreg.gather @!p0 [hbm4b:s2+s0], $0x80, v4, vm1, $0xb8;
	[tilespmem:$0x18800] =	vst v63  }
0x1b4: {  	s1 =	simm.s32 @!p0 $0xA000;
	s2 =	rddreg [dreg:$0x7]  }
0x1b5: {  	[tilespmem:s1], [sflag:$0x3] =	stream.indirect_vreg.gather @!p0 [hbm4b:s2+s0], $0x80, v4, vm1, $0xb8;
	[tilespmem:$0x18800] =	vst v63  }
0x1b6: {  	s1 =	simm.s32 @!p0 $0xA800;
	s2 =	rddreg [dreg:$0x8]  }
0x1b7: {  	[tilespmem:s1], [sflag:$0x3] =	stream.indirect_vreg.gather @!p0 [hbm4b:s2+s0], $0x80, v4, vm1, $0xb8;
	[tilespmem:$0x18800] =	vst v63  }
0x1b8: {  	s1 =	simm.s32 @!p0 $0xB000;
	s2 =	rddreg [dreg:$0x9]  }
0x1b9: {  	[tilespmem:s1], [sflag:$0x3] =	stream.indirect_vreg.gather @!p0 [hbm4b:s2+s0], $0x80, v4, vm1, $0xb8;
	[tilespmem:$0x18800] =	vst v63  }
0x1ba: {  	s25 =	simm.s32 $0x0;
	s1 =	simm.s32 @!p0 $0xB800;
	s2 =	rddreg [dreg:$0xa]  }
0x1bb: {  	[tilespmem:s1], [sflag:$0x3] =	stream.indirect_vreg.gather @!p0 [hbm4b:s2+s0], $0x80, v4, vm1, $0xb8;
	[tilespmem:$0x18800] =	vst v63  }
0x1bc: {  	s26 =	simm.s32 $0x4;
	s1 =	simm.s32 @!p0 $0xC000;
	s2 =	rddreg [dreg:$0xb]  }
0x1bd: {  	[tilespmem:s1], [sflag:$0x3] =	stream.indirect_vreg.gather @!p0 [hbm4b:s2+s0], $0x80, v4, vm1, $0xb8;
	[tilespmem:$0x18800] =	vst v63  }
0x1be: {  	s4 =	sand.u32 $0x40, s25;
	s30 =	sand.u32 $0x3C00, s25;
	_ =	swait.ge [sflag:s26], $0x4000  }
0x1bf: {  	s3 =	sadd.s32 $0xC800, s30;
	s5 =	sor.u32 $0x30, s4;
	[sflag:s26] =	ssyncset.done $0x0  }
0x1c0: {  	s31 =	sor.u32 s5, s3;
	[sflag:s26] =	ssyncadd.s32 $0xFFFFC000  }
0x1c1: {  	v4 =	vld [tilespmem:s31+$0x0]  }
0x1c2: {  	s6 =	sor.u32 s4, s3;
	v5 =	vld [tilespmem:s31+$0x80]  }
0x1c3: {  	v6 =	vld [tilespmem:s6+$0x0]  }
0x1c4: {  	v7 =	vld [tilespmem:s31+$0x100]  }
0x1c5: {  	s10 =	sor.u32 $0x10, s4;
	v8 =	vld [tilespmem:s6+$0x80]  }
0x1c6: {  	s11 =	sor.u32 s10, s3;
	v9 =	vld [tilespmem:s31+$0x180]  }
0x1c7: {  	s12 =	sor.u32 $0x20, s4;
	v14 =	vld [tilespmem:s11+$0x0]  }
0x1c8: {  	s3 =	sor.u32 s12, s3;
	v15 =	vld [tilespmem:s11+$0x80]  }
0x1c9: {  	v16 =	vld [tilespmem:s3+$0x0]  }
0x1ca: {  	p1 =	por $0x0, $0x0;
	s2 =	simm.s32 $0x1;
	v17 =	vld [tilespmem:s3+$0x80]  }
0x1cb: {  	s2 =	simm.s32 @!p1 $0x0;
	v18 =	vld [tilespmem:s6+$0x100]  }
0x1cc: {  	s2 =	sshll.u32 s2, $0x6;
	v19 =	vld [tilespmem:s3+$0x100]  }
0x1cd: {  	s2 =	sadd.s32 $0x0, s2;
	v20 =	vld [tilespmem:s11+$0x180]  }
0x1ce: {  	v21 =	vld [tilespmem:s3+$0x180];
	s17 =	sor.u32 $0x200, s2  }
0x1cf: {  	s7 =	sadd.s32 $0x30, s2;
	s22 =	sor.u32 $0x280, s2;
	v59 =	vld [tilespmem:s17+$0xC800]  }
0x1d0: {  	s8 =	sor.u32 $0x200, s7;
	v62 =	vld [tilespmem:s22+$0xC800];
	v4 =	vadd.f32 v5, v4  }
0x1d1: {  	v10 =	vld [tilespmem:s8+$0xC800]  }
0x1d2: {  	s13 =	sadd.s32 $0x10, s2;
	s9 =	sor.u32 $0x280, s7;
	v5 =	vld [tilespmem:s11+$0x100];
	v4 =	vadd.f32 v7, v4  }
0x1d3: {  	s18 =	sor.u32 $0x280, s13;
	v11 =	vld [tilespmem:s9+$0xC800]  }
0x1d4: {  	s8 =	sor.u32 $0x300, s7;
	v60 =	vld [tilespmem:s18+$0xC800];
	v4 =	vadd.f32 v9, v4  }
0x1d5: {  	s7 =	sor.u32 $0x380, s7;
	v57 =	vld [tilespmem:s8+$0xC800];
	v14 =	vadd.f32 v15, v14  }
0x1d6: {  	s15 =	sor.u32 $0x200, s13;
	v58 =	vld [tilespmem:s7+$0xC800];
	v4 =	vadd.f32 v10, v4  }
0x1d7: {  	s14 =	sadd.s32 $0x20, s2;
	v9 =	vld [tilespmem:s15+$0xC800];
	v5 =	vadd.f32 v5, v14  }
0x1d8: {  	s1 =	sadd.s32 s30, s21;
	s16 =	sor.u32 $0x200, s14;
	v7 =	vld [tilespmem:s6+$0x180];
	v4 =	vadd.f32 v11, v4;
	v11 =	vadd.f32 v17, v16  }
0x1d9: {  	s5 =	sadd.s32 s5, s1;
	v6 =	vadd.f32 v8, v6;
	v10 =	vld [tilespmem:s16+$0xC800]  }
0x1da: {  	s20 =	sor.u32 $0x280, s14;
	v8 =	vld [tilespmem:s5+$0x0];
	v14 =	vadd.f32 v20, v5;
	v11 =	vadd.f32 v19, v11  }
0x1db: {  	s23 =	sor.u32 $0x300, s13;
	v61 =	vld [tilespmem:s20+$0xC800];
	v6 =	vadd.f32 v18, v6;
	v4 =	vadd.f32 v57, v4  }
0x1dc: {  	s24 =	sor.u32 $0x300, s14;
	v63 =	vld [tilespmem:s23+$0xC800];
	v9 =	vadd.f32 v9, v14;
	v11 =	vadd.f32 v21, v11  }
0x1dd: {  	s25 =	sor.u32 $0x300, s2;
	v7 =	vadd.f32 v7, v6;
	v5 =	vld [tilespmem:s24+$0xC800];
	v4 =	vadd.f32 v58, v4  }
0x1de: {  	s26 =	sor.u32 $0x380, s13;
	v6 =	vld [tilespmem:s25+$0xC800];
	v9 =	vadd.f32 v60, v9;
	v10 =	vadd.f32 v10, v11  }
0x1df: {  	s29 =	sadd.s32 s4, s1;
	s30 =	sor.u32 $0x380, s14;
	v8 =	vadd.f32 v8, v4;
	v4 =	vld [tilespmem:s26+$0xC800];
	v11 =	vadd.f32 v59, v7  }
0x1e0: {  	s28 =	sadd.s32 s10, s1;
	s31 =	sor.u32 $0x380, s2;
	s23 =	simm.s32 $0x0;
	v7 =	vld [tilespmem:s30+$0xC800];
	v10 =	vadd.f32 v61, v10  }
0x1e1: {  	s24 =	simm.s32 $0x200;
	s25 =	simm.s32 $0x40;
	v9 =	vadd.f32 v63, v9;
	s26 =	sadd.s32 s12, s1;
	[tilespmem:s5+$0x0] =	vst v8;
	v11 =	vadd.f32 v62, v11;
	v8 =	vld [tilespmem:s31+$0xC800]  }
.LBB2_11:
0x1e2: {  	s4 =	sand.u32 $0x40, s25;
	s3 =	sand.u32 $0x3C00, s24;
	v12 =	vld [tilespmem:s29+$0x0];
	v5 =	vadd.f32 v5, v10  }
0x1e3: {  	s23 =	sadd.s32 $0x4, s23;
	s0 =	sadd.s32 $0xC800, s3;
	s16 =	sor.u32 $0x30, s4;
	v6 =	vadd.f32 v6, v11;
	v10 =	vld [tilespmem:s28+$0x0]  }
0x1e4: {  	s12 =	sor.u32 $0x10, s4;
	p2 =	slt.u32 s23, $0x7C;
	s1 =	sor.u32 s16, s0;
	v4 =	vadd.f32 v4, v9;
	v9 =	vld [tilespmem:s26+$0x0]  }
0x1e5: {  	s2 =	sor.u32 $0x20, s4;
	s14 =	sor.u32 s4, s0;
	s13 =	sor.u32 s12, s0;
	v11 =	vld [tilespmem:s1+$0x0];
	v5 =	vadd.f32 v7, v5  }
0x1e6: {  	p1 =	por !p1, !p1;
	s15 =	sor.u32 s2, s0;
	s0 =	simm.s32 $0x1;
	v7 =	vld [tilespmem:s1+$0x80];
	v6 =	vadd.f32 v8, v6  }
0x1e7: {  	s0 =	simm.s32 @!p1 $0x0;
	v8 =	vld [tilespmem:s14+$0x0]  }
0x1e8: {  	s0 =	sshll.u32 s0, $0x6;
	v13 =	vld [tilespmem:s1+$0x100];
	v6 =	vadd.f32 v12, v6;
	v4 =	vadd.f32 v10, v4  }
0x1e9: {  	s10 =	sadd.s32 s0, s24;
	v10 =	vld [tilespmem:s14+$0x80];
	v5 =	vadd.f32 v9, v5  }
0x1ea: {  	s8 =	sadd.s32 $0x10, s10;
	s11 =	sadd.s32 $0x20, s10;
	s22 =	sadd.s32 $0x30, s10;
	v9 =	vld [tilespmem:s1+$0x180];
	[tilespmem:s29+$0x0] =	vst v6  }
0x1eb: {  	s9 =	sor.u32 $0x200, s8;
	s6 =	sor.u32 $0x200, s11;
	s0 =	sor.u32 $0x200, s22;
	v6 =	vld [tilespmem:s13+$0x0];
	v7 =	vadd.f32 v7, v11;
	[tilespmem:s28+$0x0] =	vst v4  }
0x1ec: {  	s7 =	sor.u32 $0x200, s10;
	s20 =	sor.u32 $0x280, s8;
	s18 =	sor.u32 $0x280, s11;
	v4 =	vld [tilespmem:s0+$0xC800];
	[tilespmem:s26+$0x0] =	vst v5  }
0x1ed: {  	s5 =	sor.u32 $0x280, s10;
	s17 =	sor.u32 $0x280, s22;
	s1 =	sor.u32 $0x300, s8;
	v5 =	vld [tilespmem:s13+$0x80];
	v7 =	vadd.f32 v13, v7  }
0x1ee: {  	s30 =	sor.u32 $0x380, s8;
	s8 =	sor.u32 $0x300, s11;
	s0 =	sor.u32 $0x300, s10;
	v8 =	vadd.f32 v10, v8;
	v10 =	vld [tilespmem:s17+$0xC800]  }
0x1ef: {  	s31 =	sor.u32 $0x380, s11;
	s17 =	sor.u32 $0x380, s10;
	s10 =	sor.u32 $0x300, s22;
	v11 =	vld [tilespmem:s15+$0x0];
	v7 =	vadd.f32 v9, v7  }
0x1f0: {  	v9 =	vld [tilespmem:s10+$0xC800]  }
0x1f1: {  	s10 =	sor.u32 $0x380, s22;
	v12 =	vld [tilespmem:s15+$0x80];
	v4 =	vadd.f32 v4, v7  }
0x1f2: {  	s3 =	sadd.s32 s3, s21;
	v5 =	vadd.f32 v5, v6;
	v6 =	vld [tilespmem:s10+$0xC800]  }
0x1f3: {  	s29 =	sadd.s32 s4, s3;
	s4 =	sadd.s32 s16, s3;
	s28 =	sadd.s32 s12, s3;
	v7 =	vld [tilespmem:s14+$0x100];
	v4 =	vadd.f32 v10, v4  }
0x1f4: {  	s26 =	sadd.s32 s2, s3;
	v10 =	vld [tilespmem:s4+$0x0]  }
0x1f5: {  	v13 =	vld [tilespmem:s13+$0x100];
	v4 =	vadd.f32 v9, v4  }
0x1f6: {  	v9 =	vadd.f32 v12, v11;
	v11 =	vld [tilespmem:s15+$0x100]  }
0x1f7: {  	v12 =	vld [tilespmem:s14+$0x180];
	v4 =	vadd.f32 v6, v4  }
0x1f8: {  	v6 =	vadd.f32 v7, v8;
	v7 =	vld [tilespmem:s13+$0x180]  }
0x1f9: {  	v8 =	vld [tilespmem:s15+$0x180];
	v4 =	vadd.f32 v10, v4  }
0x1fa: {  	v5 =	vadd.f32 v13, v5;
	v10 =	vld [tilespmem:s9+$0xC800]  }
0x1fb: {  	v9 =	vadd.f32 v11, v9;
	v11 =	vld [tilespmem:s6+$0xC800];
	[tilespmem:s4+$0x0] =	vst v4  }
0x1fc: {  	v4 =	vadd.f32 v12, v6;
	v6 =	vld [tilespmem:s7+$0xC800]  }
0x1fd: {  	v5 =	vadd.f32 v7, v5;
	v7 =	vld [tilespmem:s20+$0xC800]  }
0x1fe: {  	v8 =	vadd.f32 v8, v9;
	v9 =	vld [tilespmem:s18+$0xC800]  }
0x1ff: {  	v12 =	vld [tilespmem:s5+$0xC800];
	v10 =	vadd.f32 v10, v5  }
0x200: {  	v13 =	vld [tilespmem:s1+$0xC800];
	v8 =	vadd.f32 v11, v8  }
.Ltmp4:
0x201: {  	v11 =	vadd.f32 v6, v4;
	v5 =	vld [tilespmem:s8+$0xC800];
	(pc) =	sbr.rel @p2 .LBB2_11-.Ltmp4, $4  }
0x202: {  	v6 =	vld [tilespmem:s0+$0xC800];
	v14 =	vadd.f32 v7, v10  }
0x203: {  	v4 =	vld [tilespmem:s30+$0xC800];
	v10 =	vadd.f32 v9, v8  }
0x204: {  	v11 =	vadd.f32 v12, v11;
	v7 =	vld [tilespmem:s31+$0xC800]  }
0x205: {  	s25 =	sadd.s32 $0x40, s25;
	s24 =	sadd.s32 $0x200, s24;
	v8 =	vld [tilespmem:s17+$0xC800];
	v9 =	vadd.f32 v13, v14  }
0x206: {  	v63 =	vld [tilespmem:s28+$0x0]  }
0x207: {  	v13 =	vld [tilespmem:s26+$0x0]  }
0x208: {  	v12 =	vld [tilespmem:s29+$0x0];
	v5 =	vadd.f32 v5, v10  }
0x209: {  	v6 =	vadd.f32 v6, v11;
	v4 =	vadd.f32 v4, v9  }
0x20a: {  	v5 =	vadd.f32 v7, v5  }
0x20b: {  	v6 =	vadd.f32 v8, v6;
	v4 =	vadd.f32 v63, v4  }
0x20c: {  	v5 =	vadd.f32 v13, v5  }
0x20d: {  	v6 =	vadd.f32 v12, v6;
	[tilespmem:s28+$0x0] =	vst v4  }
0x20e: {  	[tilespmem:s26+$0x0] =	vst v5  }
0x20f: {  	[tilespmem:s29+$0x0] =	vst v6  }
0x210: {  	s0 =	rddreg [dreg:$0x10]  }
0x211: {  	v4 =	vld.msk @!p0 [tilespmem:s0+$0x38], $0xff;
	_ =	sdelay $0x4  }
0x212: {  	v5 =	vshll.u32 @!p0 v4, $0x4  }
0x213: {  	v6 =	vlaneseq.u32 @!p0;
	v4 =	vand.u32 @!p0 $0x7, v4;
	v5 =	vand.u32 @!p0 $0xFFFFFF80, v5  }
0x214: {  	v4 =	vor.u32 @!p0 v4, v5;
	v5 =	vand.u32 @!p0 $0x7, v6;
	v6 =	vshrl.u32 @!p0 v6, $0x3  }
0x215: {  	v4 =	vperm.xlane @!p0 v4, v5;
	v5 =	vmul.u32 @!p0 $0x8, v6;
	_ =	sdelay $0x1  }
0x216: {  	v4 =	vadd.s32 @!p0 v5, v4;
	_ =	sdelay $0x3  }
0x217: {  	s1 =	simm.s32 @!p0 $0xC800;
	s2 =	rddreg [dreg:$0x0];
	s0 =	simm.s32 @!p0 $0x0  }
0x218: {  	[tilespmem:s1], [sflag:$0x4] =	stream.indirect_vreg.gather @!p0 [hbm4b:s2+s0], $0x80, v4, vm1, $0xb8;
	[tilespmem:$0x18800] =	vst v63  }
0x219: {  	s1 =	simm.s32 @!p0 $0xD000;
	s2 =	rddreg [dreg:$0x5]  }
0x21a: {  	[tilespmem:s1], [sflag:$0x4] =	stream.indirect_vreg.gather @!p0 [hbm4b:s2+s0], $0x80, v4, vm1, $0xb8;
	[tilespmem:$0x18800] =	vst v63  }
0x21b: {  	s1 =	simm.s32 @!p0 $0xD800;
	s2 =	rddreg [dreg:$0x6]  }
0x21c: {  	[tilespmem:s1], [sflag:$0x4] =	stream.indirect_vreg.gather @!p0 [hbm4b:s2+s0], $0x80, v4, vm1, $0xb8;
	[tilespmem:$0x18800] =	vst v63  }
0x21d: {  	s1 =	simm.s32 @!p0 $0xE000;
	s2 =	rddreg [dreg:$0x7]  }
0x21e: {  	[tilespmem:s1], [sflag:$0x4] =	stream.indirect_vreg.gather @!p0 [hbm4b:s2+s0], $0x80, v4, vm1, $0xb8;
	[tilespmem:$0x18800] =	vst v63  }
0x21f: {  	s1 =	simm.s32 @!p0 $0xE800;
	s2 =	rddreg [dreg:$0x8]  }
0x220: {  	[tilespmem:s1], [sflag:$0x4] =	stream.indirect_vreg.gather @!p0 [hbm4b:s2+s0], $0x80, v4, vm1, $0xb8;
	[tilespmem:$0x18800] =	vst v63  }
0x221: {  	s1 =	simm.s32 @!p0 $0xF000;
	s2 =	rddreg [dreg:$0x9]  }
0x222: {  	[tilespmem:s1], [sflag:$0x4] =	stream.indirect_vreg.gather @!p0 [hbm4b:s2+s0], $0x80, v4, vm1, $0xb8;
	[tilespmem:$0x18800] =	vst v63  }
0x223: {  	s1 =	simm.s32 @!p0 $0xF800;
	s2 =	rddreg [dreg:$0xa]  }
0x224: {  	[tilespmem:s1], [sflag:$0x4] =	stream.indirect_vreg.gather @!p0 [hbm4b:s2+s0], $0x80, v4, vm1, $0xb8;
	[tilespmem:$0x18800] =	vst v63  }
0x225: {  	s1 =	simm.s32 @!p0 $0x10000;
	s2 =	rddreg [dreg:$0xb]  }
0x226: {  	[tilespmem:s1], [sflag:$0x4] =	stream.indirect_vreg.gather @!p0 [hbm4b:s2+s0], $0x80, v4, vm1, $0xb8;
	[tilespmem:$0x18800] =	vst v63  }
0x227: {  	s0 =	rddreg [dreg:$0xf]  }
0x228: {  	p1 =	sne.s32 @!p0 s0, $0xF  }
0x229: {  	p0 =	por p0, !p1  }
0x22a: {  	s0 =	sshll.u32 @p0 s19, $0x8;
	s1 =	rddreg @p0 [dreg:$0xc];
	s2 =	simm.s32 @p0 $0x10800  }
0x22b: {  	s19 =	sadd.s32 $0x1, s19;
	s0 =	sadd.s32 @p0 s0, s1;
	s1 =	simm.s32 @p0 $0x0  }
0x22c: {  	[hbm4b:s0+s1] =	stream.linear.scatter @p0 [tilespmem:s2], [sflag:$0x5], $0x8000, $0x38;
	[tilespmem:$0x18800] =	vst v63  }
0x22d: {  	p0 =	sne.s32 s19, $0x40  }
.Ltmp5:
0x22e: {  	_ = 	snop;
	(pc) =	sbr.rel @p0 .LBB2_4-.Ltmp5, $1  }
0x22f: {  	_ =	sdelay $0x3  }
0x230: {  	s1 =	simm.s32 $0x5  }
0x231: {  	_ =	swait.ge [sflag:s1], $0x8000  }
0x232: {  	s2 =	rddreg [dreg:$0xe]  }
0x233: {  	s0 =	rddreg [dreg:$0xd];
	s2 =	sadd.s32 $0x1, s2  }
0x234: {  	p0 =	sne.s32 s2, s0  }
.Ltmp6:
0x235: {  	_ = 	snop;
	(pc) =	sbr.rel @p0 .LBB2_1-.Ltmp6, $3  }
0x236: {  	_ =	sdelay $0x1  }
0x237: {  	[sflag:s1] =	ssyncset.done $0x0  }
0x238: {  	[sflag:s1] =	ssyncadd.s32 $0xFFFF8000  }
0x239: {  	_ =	sfence.sel $0x180000  }
0x23a: {  	[bflag:$0x0] =	sbarrier.arrive $0xFFFF  }
0x23b: {  	_ =	strace $0x90000047  }
0x23c: {  	s0 =	stileid.u32;
	[bflag:$0x2] =	sbarrier.arrive $0xFFFF  }
0x23d: {  	p0 =	sne.s32 s0, $0x0;
	s0 =	rddreg [dreg:$0x3]  }
0x23e: {  	s0 =	sadd.s32 @!p0 $0x100000, s0  }
0x23f: {  	[sflag:s0] =	ssyncadd.tile.s32 @!p0 $0x1;
	_ =	shalt  }
.Lfunc_end2:
_tile_overlayer_lowered:
.L_overlay_start_2:
0x240: {  	(tag) =	ssettag $0x2  }
0x241: {  	s0 =	rddreg [dreg:$0x0];
	s2 =	stileid.u32  }
0x242: {  	s1 =	rddreg [dreg:$0x1];
	p0 =	sne.s32 s2, $0x0  }
0x243: {  	s3 =	rddreg [dreg:$0x2];
	[bflag:$0x3] =	sbarrier.arrive $0xFFFF;
	s2 =	simm.s32 @!p0 $0x1C06  }
0x244: {  	[timem:s3], [sflag:s2] =	dma.local @!p0 [hbm:s0], s1  }
0x245: {  	s0 =	simm.s32 @!p0 $0x6  }
0x246: {  	_ =	swait.ge @!p0 [sflag:s0], s1  }
0x247: {  	s1 =	ssub.s32 @!p0 $0x0, s1;
	[sflag:s0] =	ssyncset.done @!p0 $0x0  }
0x248: {  	[sflag:s0] =	ssyncadd.s32 @!p0 s1  }
0x249: {  	[bflag:$0x3] =	sbarrier.arrive $0xFFFF  }
0x24a: {  	_ =	shalt  }

</sc_bundles>
